<compile_context>
chip_gen: v7x
topology: tpu7x:2x2x1
jax: 0.10.2.dev20260603
libtpu: 0.0.44.dev20260713+nightly
codegen_flags: <defaults>
</compile_context>

<pallas_src>
import functools

import jax
import jax.numpy as jnp
from jax import lax
from jax.experimental import pallas as pl
from jax.experimental.pallas import tpu as pltpu
from jax.experimental.pallas import tpu_sc as plsc

B = 16384
T = 512
L = 16

_info = plsc.get_sparse_core_info()
NC = _info.num_cores
NS = _info.num_subcores
NW = NC * NS
BPW = B // NW
CHUNK = 128
NCHUNK = BPW // CHUNK

_mesh = plsc.VectorSubcoreMesh(core_axis_name="c", subcore_axis_name="s")


@functools.partial(
    pl.kernel,
    mesh=_mesh,
    compiler_params=pltpu.CompilerParams(needs_layout_passes=False),
    out_type=[
        jax.ShapeDtypeStruct((NW, NCHUNK, CHUNK), jnp.float32),
        jax.ShapeDtypeStruct((NW, NCHUNK, CHUNK), jnp.float32),
    ],
    scratch_types=[
        pltpu.VMEM((NCHUNK, CHUNK), jnp.int32),
        pltpu.VMEM((NCHUNK, CHUNK), jnp.float32),
        [pltpu.SemaphoreType.DMA for _ in range(NCHUNK)],
    ],
)
def _sc_gather(flat_hbm, s_hbm, out0_hbm, out1_hbm, s_v, vals_v, sems):
    wid = lax.axis_index("s") * NC + lax.axis_index("c")

    pltpu.sync_copy(s_hbm.at[wid], s_v)

    lane = lax.iota(jnp.int32, L)
    lane_off = (lane >> 3) * 4096 + (lane & 7) * 128
    woff = wid * (BPW * T)
    copies = []
    for j in range(NCHUNK):
        s_row = s_v.at[j]
        for g in range(CHUNK // L):
            off = (j * CHUNK + g * L) * T
            sl = s_row[pl.ds(g * L, L)]
            s_row[pl.ds(g * L, L)] = (
                sl + (sl >> 7) * 896 + (lane_off + (woff + off))
            )
        copies.append(
            pltpu.async_copy(flat_hbm.at[s_v.at[j]], vals_v.at[j], sems[j])
        )
    for cp in copies:
        cp.wait()

    o0 = pltpu.async_copy(vals_v, out0_hbm.at[wid], sems[0])
    o1 = pltpu.async_copy(vals_v, out1_hbm.at[wid], sems[1])
    o0.wait()
    o1.wait()


def kernel(inputs, state):
    s = state.reshape(NW, NCHUNK, CHUNK).astype(jnp.int32)
    flat = (
        inputs.reshape(B // 8, 8, T // 128, 128)
        .transpose(0, 2, 1, 3)
        .reshape(B * T)
    )
    o0, o1 = _sc_gather(flat, s)
    return (o0.reshape(B, 1), o1.reshape(B, 1))

# --- scband reference (transcript-rebuilt; emitter-appended) ---
"""Pipeline reference for scband-crf-decode-backward-rnn-cell-38809324486882 (READ-ONLY COPY).

The authoritative reference and input builder live on the scoring server;
editing this copy changes nothing except your own understanding.
"""

import jax, jax.numpy as jnp
import numpy as np


def setup_inputs(seed: int = 0) -> dict:
    key = jax.random.key(seed)
    k1, k2 = jax.random.split(key)
    batch = 16384
    num_tags = 512
    inputs = jax.random.normal(k1, (batch, num_tags), dtype=jnp.float32)
    state = jax.random.randint(k2, (batch, 1), 0, num_tags).astype(jnp.int64)
    return {"inputs": inputs, "state": state}


def reference(inputs, state):
    # TF: state = tf.squeeze(state[0], axis=[1]); here `state` is state[0] ([B,1])
    s = jnp.squeeze(state, axis=1)  # [B]
    # gather_nd over stacked (batch_idx, tag_idx): inputs[b, s[b]]
    gathered = jnp.take_along_axis(inputs, s[:, None], axis=1)  # [B,1]
    new_tags = gathered
    return (new_tags, new_tags)

if __name__ == "__main__":
    import jax
    _d = setup_inputs()
    print(jax.jit(kernel)(*tuple(_d.values())))

</pallas_src>

<mosaic_0001>
#map = affine_map<(d0, d1) -> (0)>
#map1 = affine_map<(d0, d1) -> (0, 0, 0)>
module attributes {stable_mosaic.version = 14 : i64} {
  func.func @_sc_gather(%arg0: i32, %arg1: i32, %arg2: memref<8388608xf32, #tpu.memory_space<hbm>>, %arg3: memref<32x4x128xi32, #tpu.memory_space<hbm>>, %arg4: memref<32x4x128xf32, #tpu.memory_space<hbm>>, %arg5: memref<32x4x128xf32, #tpu.memory_space<hbm>>, %arg6: memref<4x128xi32, #tpu.memory_space<vmem>>, %arg7: memref<4x128xf32, #tpu.memory_space<vmem>>, %arg8: memref<!tpu.dma_semaphore, #tpu.memory_space<semaphore_mem>>, %arg9: memref<!tpu.dma_semaphore, #tpu.memory_space<semaphore_mem>>, %arg10: memref<!tpu.dma_semaphore, #tpu.memory_space<semaphore_mem>>, %arg11: memref<!tpu.dma_semaphore, #tpu.memory_space<semaphore_mem>>) attributes {dimension_semantics = [#tpu.dimension_semantics<core_parallel>, #tpu.dimension_semantics<subcore_parallel>], iteration_bounds = array<i64: 2, 16>, scalar_prefetch = 0 : i64, scratch_operands = 6 : i64, tpu.core_type = #tpu.core_type<sc_vector_subcore>, window_params = [{transform_indices = #map}, {transform_indices = #map1}, {transform_indices = #map1}, {transform_indices = #map1}]} {
    %mul3A = arith.constant 2 : i32
    %mul3A_0 = arith.muli %arg1, %mul3A : i32
    %add3A = arith.addi %mul3A_0, %arg0 : i32
    "tpu.region"() ({
      %run_scoped3A = tpu.sem_alloc : memref<!tpu.dma_semaphore, #tpu.memory_space<semaphore_mem>>
      %dma_start3A_890 = arith.constant 0 : i32
      %dma_start3A_891 = arith.constant 0 : i32
      %dma_start3A_892 = tpu.memref_slice %arg3[%add3A, %dma_start3A_890, %dma_start3A_891] : memref<32x4x128xi32, #tpu.memory_space<hbm>> -> memref<1x4x128xi32, #tpu.memory_space<hbm>>
      %dma_start3A_893 = tpu.memref_squeeze %dma_start3A_892 : memref<1x4x128xi32, #tpu.memory_space<hbm>> -> memref<4x128xi32, #tpu.memory_space<hbm>>
      %dma_start3A_894 = arith.constant 0 : i32
      %dma_start3A_895 = arith.constant 0 : i32
      %dma_start3A_896 = tpu.memref_slice %arg3[%add3A, %dma_start3A_894, %dma_start3A_895] : memref<32x4x128xi32, #tpu.memory_space<hbm>> -> memref<1x4x128xi32, #tpu.memory_space<hbm>>
      %dma_start3A_897 = tpu.memref_squeeze %dma_start3A_896 : memref<1x4x128xi32, #tpu.memory_space<hbm>> -> memref<4x128xi32, #tpu.memory_space<hbm>>
      tpu.enqueue_dma source(%dma_start3A_897 : memref<4x128xi32, #tpu.memory_space<hbm>>) target(%arg6 : memref<4x128xi32, #tpu.memory_space<vmem>>) target_semaphore(%run_scoped3A : memref<!tpu.dma_semaphore, #tpu.memory_space<semaphore_mem>>)
      %dma_wait3A_898 = arith.constant 0 : i32
      %dma_wait3A_899 = arith.constant 0 : i32
      %dma_wait3A_900 = tpu.memref_slice %arg3[%add3A, %dma_wait3A_898, %dma_wait3A_899] : memref<32x4x128xi32, #tpu.memory_space<hbm>> -> memref<1x4x128xi32, #tpu.memory_space<hbm>>
      %dma_wait3A_901 = tpu.memref_squeeze %dma_wait3A_900 : memref<1x4x128xi32, #tpu.memory_space<hbm>> -> memref<4x128xi32, #tpu.memory_space<hbm>>
      %dma_wait3A_902 = arith.constant 0 : i32
      %dma_wait3A_903 = arith.constant 0 : i32
      %dma_wait3A_904 = tpu.memref_slice %arg3[%add3A, %dma_wait3A_902, %dma_wait3A_903] : memref<32x4x128xi32, #tpu.memory_space<hbm>> -> memref<1x4x128xi32, #tpu.memory_space<hbm>>
      %dma_wait3A_905 = tpu.memref_squeeze %dma_wait3A_904 : memref<1x4x128xi32, #tpu.memory_space<hbm>> -> memref<4x128xi32, #tpu.memory_space<hbm>>
      tpu.wait_dma2 semaphore(%run_scoped3A : memref<!tpu.dma_semaphore, #tpu.memory_space<semaphore_mem>>) src(%dma_wait3A_905 : memref<4x128xi32, #tpu.memory_space<hbm>>) dst(%arg6 : memref<4x128xi32, #tpu.memory_space<vmem>>)
      tpu.yield
    }) : () -> ()
    %iota3A = tpu.iota {dimensions = array<i32: 0>} : vector<16xi32>
    %shift_right_arithmetic3A = arith.constant 3 : i32
    %shift_right_arithmetic3A_1 = vector.broadcast %shift_right_arithmetic3A : i32 to vector<16xi32>
    %shift_right_arithmetic3A_2 = arith.shrsi %iota3A, %shift_right_arithmetic3A_1 : vector<16xi32>
    %mul3A_3 = arith.constant 4096 : i32
    %mul3A_4 = vector.broadcast %mul3A_3 : i32 to vector<16xi32>
    %mul3A_5 = arith.muli %shift_right_arithmetic3A_2, %mul3A_4 : vector<16xi32>
    %and3A = arith.constant 7 : i32
    %and3A_6 = vector.broadcast %and3A : i32 to vector<16xi32>
    %and3A_7 = arith.andi %iota3A, %and3A_6 : vector<16xi32>
    %mul3A_8 = arith.constant 128 : i32
    %mul3A_9 = vector.broadcast %mul3A_8 : i32 to vector<16xi32>
    %mul3A_10 = arith.muli %and3A_7, %mul3A_9 : vector<16xi32>
    %add3A_11 = arith.addi %mul3A_5, %mul3A_10 : vector<16xi32>
    %mul3A_12 = arith.constant 262144 : i32
    %mul3A_13 = arith.muli %add3A, %mul3A_12 : i32
    %get3A = arith.constant 0 : i32
    %get3A_14 = arith.constant 0 : i32
    %get3A_15 = tpu.memref_slice %arg6[%get3A, %get3A_14] : memref<4x128xi32, #tpu.memory_space<vmem>> -> memref<1x128xi32, #tpu.memory_space<vmem>>
    %get3A_16 = tpu.memref_squeeze %get3A_15 : memref<1x128xi32, #tpu.memory_space<vmem>> -> memref<128xi32, #tpu.memory_space<vmem>>
    %get3A_17 = arith.constant 0 : index
    %get3A_18 = tpu.vector_load %get3A_16[%get3A_17] {strides = array<i32>} : memref<128xi32, #tpu.memory_space<vmem>>, vector<16xi32>,
    %shift_right_arithmetic3A_19 = arith.constant 7 : i32
    %shift_right_arithmetic3A_20 = vector.broadcast %shift_right_arithmetic3A_19 : i32 to vector<16xi32>
    %shift_right_arithmetic3A_21 = arith.shrsi %get3A_18, %shift_right_arithmetic3A_20 : vector<16xi32>
    %mul3A_22 = arith.constant 896 : i32
    %mul3A_23 = vector.broadcast %mul3A_22 : i32 to vector<16xi32>
    %mul3A_24 = arith.muli %shift_right_arithmetic3A_21, %mul3A_23 : vector<16xi32>
    %add3A_25 = arith.addi %get3A_18, %mul3A_24 : vector<16xi32>
    %add3A_26 = arith.constant 0 : i32
    %add3A_27 = arith.addi %mul3A_13, %add3A_26 : i32
    %add3A_28 = vector.broadcast %add3A_27 : i32 to vector<16xi32>
    %add3A_29 = arith.addi %add3A_11, %add3A_28 : vector<16xi32>
    %add3A_30 = arith.addi %add3A_25, %add3A_29 : vector<16xi32>
    %swap3A = arith.constant 0 : i32
    %swap3A_31 = arith.constant 0 : i32
    %swap3A_32 = tpu.memref_slice %arg6[%swap3A, %swap3A_31] : memref<4x128xi32, #tpu.memory_space<vmem>> -> memref<1x128xi32, #tpu.memory_space<vmem>>
    %swap3A_33 = tpu.memref_squeeze %swap3A_32 : memref<1x128xi32, #tpu.memory_space<vmem>> -> memref<128xi32, #tpu.memory_space<vmem>>
    %swap3A_34 = arith.constant 0 : index
    %swap3A_35 = tpu.vector_load %swap3A_33[%swap3A_34] {strides = array<i32>} : memref<128xi32, #tpu.memory_space<vmem>>, vector<16xi32>,
    tpu.vector_store %swap3A_33[%swap3A_34], %add3A_30 {strides = array<i32>} : memref<128xi32, #tpu.memory_space<vmem>>, vector<16xi32>,
    %get3A_36 = arith.constant 0 : i32
    %get3A_37 = arith.constant 0 : i32
    %get3A_38 = tpu.memref_slice %arg6[%get3A_36, %get3A_37] : memref<4x128xi32, #tpu.memory_space<vmem>> -> memref<1x128xi32, #tpu.memory_space<vmem>>
    %get3A_39 = tpu.memref_squeeze %get3A_38 : memref<1x128xi32, #tpu.memory_space<vmem>> -> memref<128xi32, #tpu.memory_space<vmem>>
    %get3A_40 = arith.constant 16 : index
    %get3A_41 = tpu.vector_load %get3A_39[%get3A_40] {strides = array<i32>} : memref<128xi32, #tpu.memory_space<vmem>>, vector<16xi32>,
    %shift_right_arithmetic3A_42 = arith.constant 7 : i32
    %shift_right_arithmetic3A_43 = vector.broadcast %shift_right_arithmetic3A_42 : i32 to vector<16xi32>
    %shift_right_arithmetic3A_44 = arith.shrsi %get3A_41, %shift_right_arithmetic3A_43 : vector<16xi32>
    %mul3A_45 = arith.constant 896 : i32
    %mul3A_46 = vector.broadcast %mul3A_45 : i32 to vector<16xi32>
    %mul3A_47 = arith.muli %shift_right_arithmetic3A_44, %mul3A_46 : vector<16xi32>
    %add3A_48 = arith.addi %get3A_41, %mul3A_47 : vector<16xi32>
    %add3A_49 = arith.constant 8192 : i32
    %add3A_50 = arith.addi %mul3A_13, %add3A_49 : i32
    %add3A_51 = vector.broadcast %add3A_50 : i32 to vector<16xi32>
    %add3A_52 = arith.addi %add3A_11, %add3A_51 : vector<16xi32>
    %add3A_53 = arith.addi %add3A_48, %add3A_52 : vector<16xi32>
    %swap3A_54 = arith.constant 0 : i32
    %swap3A_55 = arith.constant 0 : i32
    %swap3A_56 = tpu.memref_slice %arg6[%swap3A_54, %swap3A_55] : memref<4x128xi32, #tpu.memory_space<vmem>> -> memref<1x128xi32, #tpu.memory_space<vmem>>
    %swap3A_57 = tpu.memref_squeeze %swap3A_56 : memref<1x128xi32, #tpu.memory_space<vmem>> -> memref<128xi32, #tpu.memory_space<vmem>>
    %swap3A_58 = arith.constant 16 : index
    %swap3A_59 = tpu.vector_load %swap3A_57[%swap3A_58] {strides = array<i32>} : memref<128xi32, #tpu.memory_space<vmem>>, vector<16xi32>,
    tpu.vector_store %swap3A_57[%swap3A_58], %add3A_53 {strides = array<i32>} : memref<128xi32, #tpu.memory_space<vmem>>, vector<16xi32>,
    %get3A_60 = arith.constant 0 : i32
    %get3A_61 = arith.constant 0 : i32
    %get3A_62 = tpu.memref_slice %arg6[%get3A_60, %get3A_61] : memref<4x128xi32, #tpu.memory_space<vmem>> -> memref<1x128xi32, #tpu.memory_space<vmem>>
    %get3A_63 = tpu.memref_squeeze %get3A_62 : memref<1x128xi32, #tpu.memory_space<vmem>> -> memref<128xi32, #tpu.memory_space<vmem>>
    %get3A_64 = arith.constant 32 : index
    %get3A_65 = tpu.vector_load %get3A_63[%get3A_64] {strides = array<i32>} : memref<128xi32, #tpu.memory_space<vmem>>, vector<16xi32>,
    %shift_right_arithmetic3A_66 = arith.constant 7 : i32
    %shift_right_arithmetic3A_67 = vector.broadcast %shift_right_arithmetic3A_66 : i32 to vector<16xi32>
    %shift_right_arithmetic3A_68 = arith.shrsi %get3A_65, %shift_right_arithmetic3A_67 : vector<16xi32>
    %mul3A_69 = arith.constant 896 : i32
    %mul3A_70 = vector.broadcast %mul3A_69 : i32 to vector<16xi32>
    %mul3A_71 = arith.muli %shift_right_arithmetic3A_68, %mul3A_70 : vector<16xi32>
    %add3A_72 = arith.addi %get3A_65, %mul3A_71 : vector<16xi32>
    %add3A_73 = arith.constant 16384 : i32
    %add3A_74 = arith.addi %mul3A_13, %add3A_73 : i32
    %add3A_75 = vector.broadcast %add3A_74 : i32 to vector<16xi32>
    %add3A_76 = arith.addi %add3A_11, %add3A_75 : vector<16xi32>
    %add3A_77 = arith.addi %add3A_72, %add3A_76 : vector<16xi32>
    %swap3A_78 = arith.constant 0 : i32
    %swap3A_79 = arith.constant 0 : i32
    %swap3A_80 = tpu.memref_slice %arg6[%swap3A_78, %swap3A_79] : memref<4x128xi32, #tpu.memory_space<vmem>> -> memref<1x128xi32, #tpu.memory_space<vmem>>
    %swap3A_81 = tpu.memref_squeeze %swap3A_80 : memref<1x128xi32, #tpu.memory_space<vmem>> -> memref<128xi32, #tpu.memory_space<vmem>>
    %swap3A_82 = arith.constant 32 : index
    %swap3A_83 = tpu.vector_load %swap3A_81[%swap3A_82] {strides = array<i32>} : memref<128xi32, #tpu.memory_space<vmem>>, vector<16xi32>,
    tpu.vector_store %swap3A_81[%swap3A_82], %add3A_77 {strides = array<i32>} : memref<128xi32, #tpu.memory_space<vmem>>, vector<16xi32>,
    %get3A_84 = arith.constant 0 : i32
    %get3A_85 = arith.constant 0 : i32
    %get3A_86 = tpu.memref_slice %arg6[%get3A_84, %get3A_85] : memref<4x128xi32, #tpu.memory_space<vmem>> -> memref<1x128xi32, #tpu.memory_space<vmem>>
    %get3A_87 = tpu.memref_squeeze %get3A_86 : memref<1x128xi32, #tpu.memory_space<vmem>> -> memref<128xi32, #tpu.memory_space<vmem>>
    %get3A_88 = arith.constant 48 : index
    %get3A_89 = tpu.vector_load %get3A_87[%get3A_88] {strides = array<i32>} : memref<128xi32, #tpu.memory_space<vmem>>, vector<16xi32>,
    %shift_right_arithmetic3A_90 = arith.constant 7 : i32
    %shift_right_arithmetic3A_91 = vector.broadcast %shift_right_arithmetic3A_90 : i32 to vector<16xi32>
    %shift_right_arithmetic3A_92 = arith.shrsi %get3A_89, %shift_right_arithmetic3A_91 : vector<16xi32>
    %mul3A_93 = arith.constant 896 : i32
    %mul3A_94 = vector.broadcast %mul3A_93 : i32 to vector<16xi32>
    %mul3A_95 = arith.muli %shift_right_arithmetic3A_92, %mul3A_94 : vector<16xi32>
    %add3A_96 = arith.addi %get3A_89, %mul3A_95 : vector<16xi32>
    %add3A_97 = arith.constant 24576 : i32
    %add3A_98 = arith.addi %mul3A_13, %add3A_97 : i32
    %add3A_99 = vector.broadcast %add3A_98 : i32 to vector<16xi32>
    %add3A_100 = arith.addi %add3A_11, %add3A_99 : vector<16xi32>
    %add3A_101 = arith.addi %add3A_96, %add3A_100 : vector<16xi32>
    %swap3A_102 = arith.constant 0 : i32
    %swap3A_103 = arith.constant 0 : i32
    %swap3A_104 = tpu.memref_slice %arg6[%swap3A_102, %swap3A_103] : memref<4x128xi32, #tpu.memory_space<vmem>> -> memref<1x128xi32, #tpu.memory_space<vmem>>
    %swap3A_105 = tpu.memref_squeeze %swap3A_104 : memref<1x128xi32, #tpu.memory_space<vmem>> -> memref<128xi32, #tpu.memory_space<vmem>>
    %swap3A_106 = arith.constant 48 : index
    %swap3A_107 = tpu.vector_load %swap3A_105[%swap3A_106] {strides = array<i32>} : memref<128xi32, #tpu.memory_space<vmem>>, vector<16xi32>,
    tpu.vector_store %swap3A_105[%swap3A_106], %add3A_101 {strides = array<i32>} : memref<128xi32, #tpu.memory_space<vmem>>, vector<16xi32>,
    %get3A_108 = arith.constant 0 : i32
    %get3A_109 = arith.constant 0 : i32
    %get3A_110 = tpu.memref_slice %arg6[%get3A_108, %get3A_109] : memref<4x128xi32, #tpu.memory_space<vmem>> -> memref<1x128xi32, #tpu.memory_space<vmem>>
    %get3A_111 = tpu.memref_squeeze %get3A_110 : memref<1x128xi32, #tpu.memory_space<vmem>> -> memref<128xi32, #tpu.memory_space<vmem>>
    %get3A_112 = arith.constant 64 : index
    %get3A_113 = tpu.vector_load %get3A_111[%get3A_112] {strides = array<i32>} : memref<128xi32, #tpu.memory_space<vmem>>, vector<16xi32>,
    %shift_right_arithmetic3A_114 = arith.constant 7 : i32
    %shift_right_arithmetic3A_115 = vector.broadcast %shift_right_arithmetic3A_114 : i32 to vector<16xi32>
    %shift_right_arithmetic3A_116 = arith.shrsi %get3A_113, %shift_right_arithmetic3A_115 : vector<16xi32>
    %mul3A_117 = arith.constant 896 : i32
    %mul3A_118 = vector.broadcast %mul3A_117 : i32 to vector<16xi32>
    %mul3A_119 = arith.muli %shift_right_arithmetic3A_116, %mul3A_118 : vector<16xi32>
    %add3A_120 = arith.addi %get3A_113, %mul3A_119 : vector<16xi32>
    %add3A_121 = arith.constant 32768 : i32
    %add3A_122 = arith.addi %mul3A_13, %add3A_121 : i32
    %add3A_123 = vector.broadcast %add3A_122 : i32 to vector<16xi32>
    %add3A_124 = arith.addi %add3A_11, %add3A_123 : vector<16xi32>
    %add3A_125 = arith.addi %add3A_120, %add3A_124 : vector<16xi32>
    %swap3A_126 = arith.constant 0 : i32
    %swap3A_127 = arith.constant 0 : i32
    %swap3A_128 = tpu.memref_slice %arg6[%swap3A_126, %swap3A_127] : memref<4x128xi32, #tpu.memory_space<vmem>> -> memref<1x128xi32, #tpu.memory_space<vmem>>
    %swap3A_129 = tpu.memref_squeeze %swap3A_128 : memref<1x128xi32, #tpu.memory_space<vmem>> -> memref<128xi32, #tpu.memory_space<vmem>>
    %swap3A_130 = arith.constant 64 : index
    %swap3A_131 = tpu.vector_load %swap3A_129[%swap3A_130] {strides = array<i32>} : memref<128xi32, #tpu.memory_space<vmem>>, vector<16xi32>,
    tpu.vector_store %swap3A_129[%swap3A_130], %add3A_125 {strides = array<i32>} : memref<128xi32, #tpu.memory_space<vmem>>, vector<16xi32>,
    %get3A_132 = arith.constant 0 : i32
    %get3A_133 = arith.constant 0 : i32
    %get3A_134 = tpu.memref_slice %arg6[%get3A_132, %get3A_133] : memref<4x128xi32, #tpu.memory_space<vmem>> -> memref<1x128xi32, #tpu.memory_space<vmem>>
    %get3A_135 = tpu.memref_squeeze %get3A_134 : memref<1x128xi32, #tpu.memory_space<vmem>> -> memref<128xi32, #tpu.memory_space<vmem>>
    %get3A_136 = arith.constant 80 : index
    %get3A_137 = tpu.vector_load %get3A_135[%get3A_136] {strides = array<i32>} : memref<128xi32, #tpu.memory_space<vmem>>, vector<16xi32>,
    %shift_right_arithmetic3A_138 = arith.constant 7 : i32
    %shift_right_arithmetic3A_139 = vector.broadcast %shift_right_arithmetic3A_138 : i32 to vector<16xi32>
    %shift_right_arithmetic3A_140 = arith.shrsi %get3A_137, %shift_right_arithmetic3A_139 : vector<16xi32>
    %mul3A_141 = arith.constant 896 : i32
    %mul3A_142 = vector.broadcast %mul3A_141 : i32 to vector<16xi32>
    %mul3A_143 = arith.muli %shift_right_arithmetic3A_140, %mul3A_142 : vector<16xi32>
    %add3A_144 = arith.addi %get3A_137, %mul3A_143 : vector<16xi32>
    %add3A_145 = arith.constant 40960 : i32
    %add3A_146 = arith.addi %mul3A_13, %add3A_145 : i32
    %add3A_147 = vector.broadcast %add3A_146 : i32 to vector<16xi32>
    %add3A_148 = arith.addi %add3A_11, %add3A_147 : vector<16xi32>
    %add3A_149 = arith.addi %add3A_144, %add3A_148 : vector<16xi32>
    %swap3A_150 = arith.constant 0 : i32
    %swap3A_151 = arith.constant 0 : i32
    %swap3A_152 = tpu.memref_slice %arg6[%swap3A_150, %swap3A_151] : memref<4x128xi32, #tpu.memory_space<vmem>> -> memref<1x128xi32, #tpu.memory_space<vmem>>
    %swap3A_153 = tpu.memref_squeeze %swap3A_152 : memref<1x128xi32, #tpu.memory_space<vmem>> -> memref<128xi32, #tpu.memory_space<vmem>>
    %swap3A_154 = arith.constant 80 : index
    %swap3A_155 = tpu.vector_load %swap3A_153[%swap3A_154] {strides = array<i32>} : memref<128xi32, #tpu.memory_space<vmem>>, vector<16xi32>,
    tpu.vector_store %swap3A_153[%swap3A_154], %add3A_149 {strides = array<i32>} : memref<128xi32, #tpu.memory_space<vmem>>, vector<16xi32>,
    %get3A_156 = arith.constant 0 : i32
    %get3A_157 = arith.constant 0 : i32
    %get3A_158 = tpu.memref_slice %arg6[%get3A_156, %get3A_157] : memref<4x128xi32, #tpu.memory_space<vmem>> -> memref<1x128xi32, #tpu.memory_space<vmem>>
    %get3A_159 = tpu.memref_squeeze %get3A_158 : memref<1x128xi32, #tpu.memory_space<vmem>> -> memref<128xi32, #tpu.memory_space<vmem>>
    %get3A_160 = arith.constant 96 : index
    %get3A_161 = tpu.vector_load %get3A_159[%get3A_160] {strides = array<i32>} : memref<128xi32, #tpu.memory_space<vmem>>, vector<16xi32>,
    %shift_right_arithmetic3A_162 = arith.constant 7 : i32
    %shift_right_arithmetic3A_163 = vector.broadcast %shift_right_arithmetic3A_162 : i32 to vector<16xi32>
    %shift_right_arithmetic3A_164 = arith.shrsi %get3A_161, %shift_right_arithmetic3A_163 : vector<16xi32>
    %mul3A_165 = arith.constant 896 : i32
    %mul3A_166 = vector.broadcast %mul3A_165 : i32 to vector<16xi32>
    %mul3A_167 = arith.muli %shift_right_arithmetic3A_164, %mul3A_166 : vector<16xi32>
    %add3A_168 = arith.addi %get3A_161, %mul3A_167 : vector<16xi32>
    %add3A_169 = arith.constant 49152 : i32
    %add3A_170 = arith.addi %mul3A_13, %add3A_169 : i32
    %add3A_171 = vector.broadcast %add3A_170 : i32 to vector<16xi32>
    %add3A_172 = arith.addi %add3A_11, %add3A_171 : vector<16xi32>
    %add3A_173 = arith.addi %add3A_168, %add3A_172 : vector<16xi32>
    %swap3A_174 = arith.constant 0 : i32
    %swap3A_175 = arith.constant 0 : i32
    %swap3A_176 = tpu.memref_slice %arg6[%swap3A_174, %swap3A_175] : memref<4x128xi32, #tpu.memory_space<vmem>> -> memref<1x128xi32, #tpu.memory_space<vmem>>
    %swap3A_177 = tpu.memref_squeeze %swap3A_176 : memref<1x128xi32, #tpu.memory_space<vmem>> -> memref<128xi32, #tpu.memory_space<vmem>>
    %swap3A_178 = arith.constant 96 : index
    %swap3A_179 = tpu.vector_load %swap3A_177[%swap3A_178] {strides = array<i32>} : memref<128xi32, #tpu.memory_space<vmem>>, vector<16xi32>,
    tpu.vector_store %swap3A_177[%swap3A_178], %add3A_173 {strides = array<i32>} : memref<128xi32, #tpu.memory_space<vmem>>, vector<16xi32>,
    %get3A_180 = arith.constant 0 : i32
    %get3A_181 = arith.constant 0 : i32
    %get3A_182 = tpu.memref_slice %arg6[%get3A_180, %get3A_181] : memref<4x128xi32, #tpu.memory_space<vmem>> -> memref<1x128xi32, #tpu.memory_space<vmem>>
    %get3A_183 = tpu.memref_squeeze %get3A_182 : memref<1x128xi32, #tpu.memory_space<vmem>> -> memref<128xi32, #tpu.memory_space<vmem>>
    %get3A_184 = arith.constant 112 : index
    %get3A_185 = tpu.vector_load %get3A_183[%get3A_184] {strides = array<i32>} : memref<128xi32, #tpu.memory_space<vmem>>, vector<16xi32>,
    %shift_right_arithmetic3A_186 = arith.constant 7 : i32
    %shift_right_arithmetic3A_187 = vector.broadcast %shift_right_arithmetic3A_186 : i32 to vector<16xi32>
    %shift_right_arithmetic3A_188 = arith.shrsi %get3A_185, %shift_right_arithmetic3A_187 : vector<16xi32>
    %mul3A_189 = arith.constant 896 : i32
    %mul3A_190 = vector.broadcast %mul3A_189 : i32 to vector<16xi32>
    %mul3A_191 = arith.muli %shift_right_arithmetic3A_188, %mul3A_190 : vector<16xi32>
    %add3A_192 = arith.addi %get3A_185, %mul3A_191 : vector<16xi32>
    %add3A_193 = arith.constant 57344 : i32
    %add3A_194 = arith.addi %mul3A_13, %add3A_193 : i32
    %add3A_195 = vector.broadcast %add3A_194 : i32 to vector<16xi32>
    %add3A_196 = arith.addi %add3A_11, %add3A_195 : vector<16xi32>
    %add3A_197 = arith.addi %add3A_192, %add3A_196 : vector<16xi32>
    %swap3A_198 = arith.constant 0 : i32
    %swap3A_199 = arith.constant 0 : i32
    %swap3A_200 = tpu.memref_slice %arg6[%swap3A_198, %swap3A_199] : memref<4x128xi32, #tpu.memory_space<vmem>> -> memref<1x128xi32, #tpu.memory_space<vmem>>
    %swap3A_201 = tpu.memref_squeeze %swap3A_200 : memref<1x128xi32, #tpu.memory_space<vmem>> -> memref<128xi32, #tpu.memory_space<vmem>>
    %swap3A_202 = arith.constant 112 : index
    %swap3A_203 = tpu.vector_load %swap3A_201[%swap3A_202] {strides = array<i32>} : memref<128xi32, #tpu.memory_space<vmem>>, vector<16xi32>,
    tpu.vector_store %swap3A_201[%swap3A_202], %add3A_197 {strides = array<i32>} : memref<128xi32, #tpu.memory_space<vmem>>, vector<16xi32>,
    %dma_start3A = arith.constant 0 : i32
    %dma_start3A_204 = arith.constant 0 : i32
    %dma_start3A_205 = arith.constant 0 : i32
    %dma_start3A_206 = tpu.memref_slice %arg7[%dma_start3A_204, %dma_start3A_205] : memref<4x128xf32, #tpu.memory_space<vmem>> -> memref<1x128xf32, #tpu.memory_space<vmem>>
    %dma_start3A_207 = tpu.memref_squeeze %dma_start3A_206 : memref<1x128xf32, #tpu.memory_space<vmem>> -> memref<128xf32, #tpu.memory_space<vmem>>
    %dma_start3A_208 = arith.constant 0 : i32
    %dma_start3A_209 = tpu.memref_slice %arg6[%dma_start3A, %dma_start3A_208] : memref<4x128xi32, #tpu.memory_space<vmem>> -> memref<1x128xi32, #tpu.memory_space<vmem>>
    %dma_start3A_210 = tpu.memref_squeeze %dma_start3A_209 : memref<1x128xi32, #tpu.memory_space<vmem>> -> memref<128xi32, #tpu.memory_space<vmem>>
    %dma_start3A_211 = arith.constant 0 : i32
    %dma_start3A_212 = tpu.memref_slice %arg2[%dma_start3A_211] : memref<8388608xf32, #tpu.memory_space<hbm>> -> memref<8388608xf32, #tpu.memory_space<hbm>>
    tpu.enqueue_indirect_dma source(%dma_start3A_212 : memref<8388608xf32, #tpu.memory_space<hbm>>) target(%dma_start3A_207 : memref<128xf32, #tpu.memory_space<vmem>>) offsets(%dma_start3A_210 : memref<128xi32, #tpu.memory_space<vmem>>) semaphore(%arg8 : memref<!tpu.dma_semaphore, #tpu.memory_space<semaphore_mem>>)
    %get3A_213 = arith.constant 1 : i32
    %get3A_214 = arith.constant 0 : i32
    %get3A_215 = tpu.memref_slice %arg6[%get3A_213, %get3A_214] : memref<4x128xi32, #tpu.memory_space<vmem>> -> memref<1x128xi32, #tpu.memory_space<vmem>>
    %get3A_216 = tpu.memref_squeeze %get3A_215 : memref<1x128xi32, #tpu.memory_space<vmem>> -> memref<128xi32, #tpu.memory_space<vmem>>
    %get3A_217 = arith.constant 0 : index
    %get3A_218 = tpu.vector_load %get3A_216[%get3A_217] {strides = array<i32>} : memref<128xi32, #tpu.memory_space<vmem>>, vector<16xi32>,
    %shift_right_arithmetic3A_219 = arith.constant 7 : i32
    %shift_right_arithmetic3A_220 = vector.broadcast %shift_right_arithmetic3A_219 : i32 to vector<16xi32>
    %shift_right_arithmetic3A_221 = arith.shrsi %get3A_218, %shift_right_arithmetic3A_220 : vector<16xi32>
    %mul3A_222 = arith.constant 896 : i32
    %mul3A_223 = vector.broadcast %mul3A_222 : i32 to vector<16xi32>
    %mul3A_224 = arith.muli %shift_right_arithmetic3A_221, %mul3A_223 : vector<16xi32>
    %add3A_225 = arith.addi %get3A_218, %mul3A_224 : vector<16xi32>
    %add3A_226 = arith.constant 65536 : i32
    %add3A_227 = arith.addi %mul3A_13, %add3A_226 : i32
    %add3A_228 = vector.broadcast %add3A_227 : i32 to vector<16xi32>
    %add3A_229 = arith.addi %add3A_11, %add3A_228 : vector<16xi32>
    %add3A_230 = arith.addi %add3A_225, %add3A_229 : vector<16xi32>
    %swap3A_231 = arith.constant 1 : i32
    %swap3A_232 = arith.constant 0 : i32
    %swap3A_233 = tpu.memref_slice %arg6[%swap3A_231, %swap3A_232] : memref<4x128xi32, #tpu.memory_space<vmem>> -> memref<1x128xi32, #tpu.memory_space<vmem>>
    %swap3A_234 = tpu.memref_squeeze %swap3A_233 : memref<1x128xi32, #tpu.memory_space<vmem>> -> memref<128xi32, #tpu.memory_space<vmem>>
    %swap3A_235 = arith.constant 0 : index
    %swap3A_236 = tpu.vector_load %swap3A_234[%swap3A_235] {strides = array<i32>} : memref<128xi32, #tpu.memory_space<vmem>>, vector<16xi32>,
    tpu.vector_store %swap3A_234[%swap3A_235], %add3A_230 {strides = array<i32>} : memref<128xi32, #tpu.memory_space<vmem>>, vector<16xi32>,
    %get3A_237 = arith.constant 1 : i32
    %get3A_238 = arith.constant 0 : i32
    %get3A_239 = tpu.memref_slice %arg6[%get3A_237, %get3A_238] : memref<4x128xi32, #tpu.memory_space<vmem>> -> memref<1x128xi32, #tpu.memory_space<vmem>>
    %get3A_240 = tpu.memref_squeeze %get3A_239 : memref<1x128xi32, #tpu.memory_space<vmem>> -> memref<128xi32, #tpu.memory_space<vmem>>
    %get3A_241 = arith.constant 16 : index
    %get3A_242 = tpu.vector_load %get3A_240[%get3A_241] {strides = array<i32>} : memref<128xi32, #tpu.memory_space<vmem>>, vector<16xi32>,
    %shift_right_arithmetic3A_243 = arith.constant 7 : i32
    %shift_right_arithmetic3A_244 = vector.broadcast %shift_right_arithmetic3A_243 : i32 to vector<16xi32>
    %shift_right_arithmetic3A_245 = arith.shrsi %get3A_242, %shift_right_arithmetic3A_244 : vector<16xi32>
    %mul3A_246 = arith.constant 896 : i32
    %mul3A_247 = vector.broadcast %mul3A_246 : i32 to vector<16xi32>
    %mul3A_248 = arith.muli %shift_right_arithmetic3A_245, %mul3A_247 : vector<16xi32>
    %add3A_249 = arith.addi %get3A_242, %mul3A_248 : vector<16xi32>
    %add3A_250 = arith.constant 73728 : i32
    %add3A_251 = arith.addi %mul3A_13, %add3A_250 : i32
    %add3A_252 = vector.broadcast %add3A_251 : i32 to vector<16xi32>
    %add3A_253 = arith.addi %add3A_11, %add3A_252 : vector<16xi32>
    %add3A_254 = arith.addi %add3A_249, %add3A_253 : vector<16xi32>
    %swap3A_255 = arith.constant 1 : i32
    %swap3A_256 = arith.constant 0 : i32
    %swap3A_257 = tpu.memref_slice %arg6[%swap3A_255, %swap3A_256] : memref<4x128xi32, #tpu.memory_space<vmem>> -> memref<1x128xi32, #tpu.memory_space<vmem>>
    %swap3A_258 = tpu.memref_squeeze %swap3A_257 : memref<1x128xi32, #tpu.memory_space<vmem>> -> memref<128xi32, #tpu.memory_space<vmem>>
    %swap3A_259 = arith.constant 16 : index
    %swap3A_260 = tpu.vector_load %swap3A_258[%swap3A_259] {strides = array<i32>} : memref<128xi32, #tpu.memory_space<vmem>>, vector<16xi32>,
    tpu.vector_store %swap3A_258[%swap3A_259], %add3A_254 {strides = array<i32>} : memref<128xi32, #tpu.memory_space<vmem>>, vector<16xi32>,
    %get3A_261 = arith.constant 1 : i32
    %get3A_262 = arith.constant 0 : i32
    %get3A_263 = tpu.memref_slice %arg6[%get3A_261, %get3A_262] : memref<4x128xi32, #tpu.memory_space<vmem>> -> memref<1x128xi32, #tpu.memory_space<vmem>>
    %get3A_264 = tpu.memref_squeeze %get3A_263 : memref<1x128xi32, #tpu.memory_space<vmem>> -> memref<128xi32, #tpu.memory_space<vmem>>
    %get3A_265 = arith.constant 32 : index
    %get3A_266 = tpu.vector_load %get3A_264[%get3A_265] {strides = array<i32>} : memref<128xi32, #tpu.memory_space<vmem>>, vector<16xi32>,
    %shift_right_arithmetic3A_267 = arith.constant 7 : i32
    %shift_right_arithmetic3A_268 = vector.broadcast %shift_right_arithmetic3A_267 : i32 to vector<16xi32>
    %shift_right_arithmetic3A_269 = arith.shrsi %get3A_266, %shift_right_arithmetic3A_268 : vector<16xi32>
    %mul3A_270 = arith.constant 896 : i32
    %mul3A_271 = vector.broadcast %mul3A_270 : i32 to vector<16xi32>
    %mul3A_272 = arith.muli %shift_right_arithmetic3A_269, %mul3A_271 : vector<16xi32>
    %add3A_273 = arith.addi %get3A_266, %mul3A_272 : vector<16xi32>
    %add3A_274 = arith.constant 81920 : i32
    %add3A_275 = arith.addi %mul3A_13, %add3A_274 : i32
    %add3A_276 = vector.broadcast %add3A_275 : i32 to vector<16xi32>
    %add3A_277 = arith.addi %add3A_11, %add3A_276 : vector<16xi32>
    %add3A_278 = arith.addi %add3A_273, %add3A_277 : vector<16xi32>
    %swap3A_279 = arith.constant 1 : i32
    %swap3A_280 = arith.constant 0 : i32
    %swap3A_281 = tpu.memref_slice %arg6[%swap3A_279, %swap3A_280] : memref<4x128xi32, #tpu.memory_space<vmem>> -> memref<1x128xi32, #tpu.memory_space<vmem>>
    %swap3A_282 = tpu.memref_squeeze %swap3A_281 : memref<1x128xi32, #tpu.memory_space<vmem>> -> memref<128xi32, #tpu.memory_space<vmem>>
    %swap3A_283 = arith.constant 32 : index
    %swap3A_284 = tpu.vector_load %swap3A_282[%swap3A_283] {strides = array<i32>} : memref<128xi32, #tpu.memory_space<vmem>>, vector<16xi32>,
    tpu.vector_store %swap3A_282[%swap3A_283], %add3A_278 {strides = array<i32>} : memref<128xi32, #tpu.memory_space<vmem>>, vector<16xi32>,
    %get3A_285 = arith.constant 1 : i32
    %get3A_286 = arith.constant 0 : i32
    %get3A_287 = tpu.memref_slice %arg6[%get3A_285, %get3A_286] : memref<4x128xi32, #tpu.memory_space<vmem>> -> memref<1x128xi32, #tpu.memory_space<vmem>>
    %get3A_288 = tpu.memref_squeeze %get3A_287 : memref<1x128xi32, #tpu.memory_space<vmem>> -> memref<128xi32, #tpu.memory_space<vmem>>
    %get3A_289 = arith.constant 48 : index
    %get3A_290 = tpu.vector_load %get3A_288[%get3A_289] {strides = array<i32>} : memref<128xi32, #tpu.memory_space<vmem>>, vector<16xi32>,
    %shift_right_arithmetic3A_291 = arith.constant 7 : i32
    %shift_right_arithmetic3A_292 = vector.broadcast %shift_right_arithmetic3A_291 : i32 to vector<16xi32>
    %shift_right_arithmetic3A_293 = arith.shrsi %get3A_290, %shift_right_arithmetic3A_292 : vector<16xi32>
    %mul3A_294 = arith.constant 896 : i32
    %mul3A_295 = vector.broadcast %mul3A_294 : i32 to vector<16xi32>
    %mul3A_296 = arith.muli %shift_right_arithmetic3A_293, %mul3A_295 : vector<16xi32>
    %add3A_297 = arith.addi %get3A_290, %mul3A_296 : vector<16xi32>
    %add3A_298 = arith.constant 90112 : i32
    %add3A_299 = arith.addi %mul3A_13, %add3A_298 : i32
    %add3A_300 = vector.broadcast %add3A_299 : i32 to vector<16xi32>
    %add3A_301 = arith.addi %add3A_11, %add3A_300 : vector<16xi32>
    %add3A_302 = arith.addi %add3A_297, %add3A_301 : vector<16xi32>
    %swap3A_303 = arith.constant 1 : i32
    %swap3A_304 = arith.constant 0 : i32
    %swap3A_305 = tpu.memref_slice %arg6[%swap3A_303, %swap3A_304] : memref<4x128xi32, #tpu.memory_space<vmem>> -> memref<1x128xi32, #tpu.memory_space<vmem>>
    %swap3A_306 = tpu.memref_squeeze %swap3A_305 : memref<1x128xi32, #tpu.memory_space<vmem>> -> memref<128xi32, #tpu.memory_space<vmem>>
    %swap3A_307 = arith.constant 48 : index
    %swap3A_308 = tpu.vector_load %swap3A_306[%swap3A_307] {strides = array<i32>} : memref<128xi32, #tpu.memory_space<vmem>>, vector<16xi32>,
    tpu.vector_store %swap3A_306[%swap3A_307], %add3A_302 {strides = array<i32>} : memref<128xi32, #tpu.memory_space<vmem>>, vector<16xi32>,
    %get3A_309 = arith.constant 1 : i32
    %get3A_310 = arith.constant 0 : i32
    %get3A_311 = tpu.memref_slice %arg6[%get3A_309, %get3A_310] : memref<4x128xi32, #tpu.memory_space<vmem>> -> memref<1x128xi32, #tpu.memory_space<vmem>>
    %get3A_312 = tpu.memref_squeeze %get3A_311 : memref<1x128xi32, #tpu.memory_space<vmem>> -> memref<128xi32, #tpu.memory_space<vmem>>
    %get3A_313 = arith.constant 64 : index
    %get3A_314 = tpu.vector_load %get3A_312[%get3A_313] {strides = array<i32>} : memref<128xi32, #tpu.memory_space<vmem>>, vector<16xi32>,
    %shift_right_arithmetic3A_315 = arith.constant 7 : i32
    %shift_right_arithmetic3A_316 = vector.broadcast %shift_right_arithmetic3A_315 : i32 to vector<16xi32>
    %shift_right_arithmetic3A_317 = arith.shrsi %get3A_314, %shift_right_arithmetic3A_316 : vector<16xi32>
    %mul3A_318 = arith.constant 896 : i32
    %mul3A_319 = vector.broadcast %mul3A_318 : i32 to vector<16xi32>
    %mul3A_320 = arith.muli %shift_right_arithmetic3A_317, %mul3A_319 : vector<16xi32>
    %add3A_321 = arith.addi %get3A_314, %mul3A_320 : vector<16xi32>
    %add3A_322 = arith.constant 98304 : i32
    %add3A_323 = arith.addi %mul3A_13, %add3A_322 : i32
    %add3A_324 = vector.broadcast %add3A_323 : i32 to vector<16xi32>
    %add3A_325 = arith.addi %add3A_11, %add3A_324 : vector<16xi32>
    %add3A_326 = arith.addi %add3A_321, %add3A_325 : vector<16xi32>
    %swap3A_327 = arith.constant 1 : i32
    %swap3A_328 = arith.constant 0 : i32
    %swap3A_329 = tpu.memref_slice %arg6[%swap3A_327, %swap3A_328] : memref<4x128xi32, #tpu.memory_space<vmem>> -> memref<1x128xi32, #tpu.memory_space<vmem>>
    %swap3A_330 = tpu.memref_squeeze %swap3A_329 : memref<1x128xi32, #tpu.memory_space<vmem>> -> memref<128xi32, #tpu.memory_space<vmem>>
    %swap3A_331 = arith.constant 64 : index
    %swap3A_332 = tpu.vector_load %swap3A_330[%swap3A_331] {strides = array<i32>} : memref<128xi32, #tpu.memory_space<vmem>>, vector<16xi32>,
    tpu.vector_store %swap3A_330[%swap3A_331], %add3A_326 {strides = array<i32>} : memref<128xi32, #tpu.memory_space<vmem>>, vector<16xi32>,
    %get3A_333 = arith.constant 1 : i32
    %get3A_334 = arith.constant 0 : i32
    %get3A_335 = tpu.memref_slice %arg6[%get3A_333, %get3A_334] : memref<4x128xi32, #tpu.memory_space<vmem>> -> memref<1x128xi32, #tpu.memory_space<vmem>>
    %get3A_336 = tpu.memref_squeeze %get3A_335 : memref<1x128xi32, #tpu.memory_space<vmem>> -> memref<128xi32, #tpu.memory_space<vmem>>
    %get3A_337 = arith.constant 80 : index
    %get3A_338 = tpu.vector_load %get3A_336[%get3A_337] {strides = array<i32>} : memref<128xi32, #tpu.memory_space<vmem>>, vector<16xi32>,
    %shift_right_arithmetic3A_339 = arith.constant 7 : i32
    %shift_right_arithmetic3A_340 = vector.broadcast %shift_right_arithmetic3A_339 : i32 to vector<16xi32>
    %shift_right_arithmetic3A_341 = arith.shrsi %get3A_338, %shift_right_arithmetic3A_340 : vector<16xi32>
    %mul3A_342 = arith.constant 896 : i32
    %mul3A_343 = vector.broadcast %mul3A_342 : i32 to vector<16xi32>
    %mul3A_344 = arith.muli %shift_right_arithmetic3A_341, %mul3A_343 : vector<16xi32>
    %add3A_345 = arith.addi %get3A_338, %mul3A_344 : vector<16xi32>
    %add3A_346 = arith.constant 106496 : i32
    %add3A_347 = arith.addi %mul3A_13, %add3A_346 : i32
    %add3A_348 = vector.broadcast %add3A_347 : i32 to vector<16xi32>
    %add3A_349 = arith.addi %add3A_11, %add3A_348 : vector<16xi32>
    %add3A_350 = arith.addi %add3A_345, %add3A_349 : vector<16xi32>
    %swap3A_351 = arith.constant 1 : i32
    %swap3A_352 = arith.constant 0 : i32
    %swap3A_353 = tpu.memref_slice %arg6[%swap3A_351, %swap3A_352] : memref<4x128xi32, #tpu.memory_space<vmem>> -> memref<1x128xi32, #tpu.memory_space<vmem>>
    %swap3A_354 = tpu.memref_squeeze %swap3A_353 : memref<1x128xi32, #tpu.memory_space<vmem>> -> memref<128xi32, #tpu.memory_space<vmem>>
    %swap3A_355 = arith.constant 80 : index
    %swap3A_356 = tpu.vector_load %swap3A_354[%swap3A_355] {strides = array<i32>} : memref<128xi32, #tpu.memory_space<vmem>>, vector<16xi32>,
    tpu.vector_store %swap3A_354[%swap3A_355], %add3A_350 {strides = array<i32>} : memref<128xi32, #tpu.memory_space<vmem>>, vector<16xi32>,
    %get3A_357 = arith.constant 1 : i32
    %get3A_358 = arith.constant 0 : i32
    %get3A_359 = tpu.memref_slice %arg6[%get3A_357, %get3A_358] : memref<4x128xi32, #tpu.memory_space<vmem>> -> memref<1x128xi32, #tpu.memory_space<vmem>>
    %get3A_360 = tpu.memref_squeeze %get3A_359 : memref<1x128xi32, #tpu.memory_space<vmem>> -> memref<128xi32, #tpu.memory_space<vmem>>
    %get3A_361 = arith.constant 96 : index
    %get3A_362 = tpu.vector_load %get3A_360[%get3A_361] {strides = array<i32>} : memref<128xi32, #tpu.memory_space<vmem>>, vector<16xi32>,
    %shift_right_arithmetic3A_363 = arith.constant 7 : i32
    %shift_right_arithmetic3A_364 = vector.broadcast %shift_right_arithmetic3A_363 : i32 to vector<16xi32>
    %shift_right_arithmetic3A_365 = arith.shrsi %get3A_362, %shift_right_arithmetic3A_364 : vector<16xi32>
    %mul3A_366 = arith.constant 896 : i32
    %mul3A_367 = vector.broadcast %mul3A_366 : i32 to vector<16xi32>
    %mul3A_368 = arith.muli %shift_right_arithmetic3A_365, %mul3A_367 : vector<16xi32>
    %add3A_369 = arith.addi %get3A_362, %mul3A_368 : vector<16xi32>
    %add3A_370 = arith.constant 114688 : i32
    %add3A_371 = arith.addi %mul3A_13, %add3A_370 : i32
    %add3A_372 = vector.broadcast %add3A_371 : i32 to vector<16xi32>
    %add3A_373 = arith.addi %add3A_11, %add3A_372 : vector<16xi32>
    %add3A_374 = arith.addi %add3A_369, %add3A_373 : vector<16xi32>
    %swap3A_375 = arith.constant 1 : i32
    %swap3A_376 = arith.constant 0 : i32
    %swap3A_377 = tpu.memref_slice %arg6[%swap3A_375, %swap3A_376] : memref<4x128xi32, #tpu.memory_space<vmem>> -> memref<1x128xi32, #tpu.memory_space<vmem>>
    %swap3A_378 = tpu.memref_squeeze %swap3A_377 : memref<1x128xi32, #tpu.memory_space<vmem>> -> memref<128xi32, #tpu.memory_space<vmem>>
    %swap3A_379 = arith.constant 96 : index
    %swap3A_380 = tpu.vector_load %swap3A_378[%swap3A_379] {strides = array<i32>} : memref<128xi32, #tpu.memory_space<vmem>>, vector<16xi32>,
    tpu.vector_store %swap3A_378[%swap3A_379], %add3A_374 {strides = array<i32>} : memref<128xi32, #tpu.memory_space<vmem>>, vector<16xi32>,
    %get3A_381 = arith.constant 1 : i32
    %get3A_382 = arith.constant 0 : i32
    %get3A_383 = tpu.memref_slice %arg6[%get3A_381, %get3A_382] : memref<4x128xi32, #tpu.memory_space<vmem>> -> memref<1x128xi32, #tpu.memory_space<vmem>>
    %get3A_384 = tpu.memref_squeeze %get3A_383 : memref<1x128xi32, #tpu.memory_space<vmem>> -> memref<128xi32, #tpu.memory_space<vmem>>
    %get3A_385 = arith.constant 112 : index
    %get3A_386 = tpu.vector_load %get3A_384[%get3A_385] {strides = array<i32>} : memref<128xi32, #tpu.memory_space<vmem>>, vector<16xi32>,
    %shift_right_arithmetic3A_387 = arith.constant 7 : i32
    %shift_right_arithmetic3A_388 = vector.broadcast %shift_right_arithmetic3A_387 : i32 to vector<16xi32>
    %shift_right_arithmetic3A_389 = arith.shrsi %get3A_386, %shift_right_arithmetic3A_388 : vector<16xi32>
    %mul3A_390 = arith.constant 896 : i32
    %mul3A_391 = vector.broadcast %mul3A_390 : i32 to vector<16xi32>
    %mul3A_392 = arith.muli %shift_right_arithmetic3A_389, %mul3A_391 : vector<16xi32>
    %add3A_393 = arith.addi %get3A_386, %mul3A_392 : vector<16xi32>
    %add3A_394 = arith.constant 122880 : i32
    %add3A_395 = arith.addi %mul3A_13, %add3A_394 : i32
    %add3A_396 = vector.broadcast %add3A_395 : i32 to vector<16xi32>
    %add3A_397 = arith.addi %add3A_11, %add3A_396 : vector<16xi32>
    %add3A_398 = arith.addi %add3A_393, %add3A_397 : vector<16xi32>
    %swap3A_399 = arith.constant 1 : i32
    %swap3A_400 = arith.constant 0 : i32
    %swap3A_401 = tpu.memref_slice %arg6[%swap3A_399, %swap3A_400] : memref<4x128xi32, #tpu.memory_space<vmem>> -> memref<1x128xi32, #tpu.memory_space<vmem>>
    %swap3A_402 = tpu.memref_squeeze %swap3A_401 : memref<1x128xi32, #tpu.memory_space<vmem>> -> memref<128xi32, #tpu.memory_space<vmem>>
    %swap3A_403 = arith.constant 112 : index
    %swap3A_404 = tpu.vector_load %swap3A_402[%swap3A_403] {strides = array<i32>} : memref<128xi32, #tpu.memory_space<vmem>>, vector<16xi32>,
    tpu.vector_store %swap3A_402[%swap3A_403], %add3A_398 {strides = array<i32>} : memref<128xi32, #tpu.memory_space<vmem>>, vector<16xi32>,
    %dma_start3A_405 = arith.constant 1 : i32
    %dma_start3A_406 = arith.constant 1 : i32
    %dma_start3A_407 = arith.constant 0 : i32
    %dma_start3A_408 = tpu.memref_slice %arg7[%dma_start3A_406, %dma_start3A_407] : memref<4x128xf32, #tpu.memory_space<vmem>> -> memref<1x128xf32, #tpu.memory_space<vmem>>
    %dma_start3A_409 = tpu.memref_squeeze %dma_start3A_408 : memref<1x128xf32, #tpu.memory_space<vmem>> -> memref<128xf32, #tpu.memory_space<vmem>>
    %dma_start3A_410 = arith.constant 0 : i32
    %dma_start3A_411 = tpu.memref_slice %arg6[%dma_start3A_405, %dma_start3A_410] : memref<4x128xi32, #tpu.memory_space<vmem>> -> memref<1x128xi32, #tpu.memory_space<vmem>>
    %dma_start3A_412 = tpu.memref_squeeze %dma_start3A_411 : memref<1x128xi32, #tpu.memory_space<vmem>> -> memref<128xi32, #tpu.memory_space<vmem>>
    %dma_start3A_413 = arith.constant 0 : i32
    %dma_start3A_414 = tpu.memref_slice %arg2[%dma_start3A_413] : memref<8388608xf32, #tpu.memory_space<hbm>> -> memref<8388608xf32, #tpu.memory_space<hbm>>
    tpu.enqueue_indirect_dma source(%dma_start3A_414 : memref<8388608xf32, #tpu.memory_space<hbm>>) target(%dma_start3A_409 : memref<128xf32, #tpu.memory_space<vmem>>) offsets(%dma_start3A_412 : memref<128xi32, #tpu.memory_space<vmem>>) semaphore(%arg9 : memref<!tpu.dma_semaphore, #tpu.memory_space<semaphore_mem>>)
    %get3A_415 = arith.constant 2 : i32
    %get3A_416 = arith.constant 0 : i32
    %get3A_417 = tpu.memref_slice %arg6[%get3A_415, %get3A_416] : memref<4x128xi32, #tpu.memory_space<vmem>> -> memref<1x128xi32, #tpu.memory_space<vmem>>
    %get3A_418 = tpu.memref_squeeze %get3A_417 : memref<1x128xi32, #tpu.memory_space<vmem>> -> memref<128xi32, #tpu.memory_space<vmem>>
    %get3A_419 = arith.constant 0 : index
    %get3A_420 = tpu.vector_load %get3A_418[%get3A_419] {strides = array<i32>} : memref<128xi32, #tpu.memory_space<vmem>>, vector<16xi32>,
    %shift_right_arithmetic3A_421 = arith.constant 7 : i32
    %shift_right_arithmetic3A_422 = vector.broadcast %shift_right_arithmetic3A_421 : i32 to vector<16xi32>
    %shift_right_arithmetic3A_423 = arith.shrsi %get3A_420, %shift_right_arithmetic3A_422 : vector<16xi32>
    %mul3A_424 = arith.constant 896 : i32
    %mul3A_425 = vector.broadcast %mul3A_424 : i32 to vector<16xi32>
    %mul3A_426 = arith.muli %shift_right_arithmetic3A_423, %mul3A_425 : vector<16xi32>
    %add3A_427 = arith.addi %get3A_420, %mul3A_426 : vector<16xi32>
    %add3A_428 = arith.constant 131072 : i32
    %add3A_429 = arith.addi %mul3A_13, %add3A_428 : i32
    %add3A_430 = vector.broadcast %add3A_429 : i32 to vector<16xi32>
    %add3A_431 = arith.addi %add3A_11, %add3A_430 : vector<16xi32>
    %add3A_432 = arith.addi %add3A_427, %add3A_431 : vector<16xi32>
    %swap3A_433 = arith.constant 2 : i32
    %swap3A_434 = arith.constant 0 : i32
    %swap3A_435 = tpu.memref_slice %arg6[%swap3A_433, %swap3A_434] : memref<4x128xi32, #tpu.memory_space<vmem>> -> memref<1x128xi32, #tpu.memory_space<vmem>>
    %swap3A_436 = tpu.memref_squeeze %swap3A_435 : memref<1x128xi32, #tpu.memory_space<vmem>> -> memref<128xi32, #tpu.memory_space<vmem>>
    %swap3A_437 = arith.constant 0 : index
    %swap3A_438 = tpu.vector_load %swap3A_436[%swap3A_437] {strides = array<i32>} : memref<128xi32, #tpu.memory_space<vmem>>, vector<16xi32>,
    tpu.vector_store %swap3A_436[%swap3A_437], %add3A_432 {strides = array<i32>} : memref<128xi32, #tpu.memory_space<vmem>>, vector<16xi32>,
    %get3A_439 = arith.constant 2 : i32
    %get3A_440 = arith.constant 0 : i32
    %get3A_441 = tpu.memref_slice %arg6[%get3A_439, %get3A_440] : memref<4x128xi32, #tpu.memory_space<vmem>> -> memref<1x128xi32, #tpu.memory_space<vmem>>
    %get3A_442 = tpu.memref_squeeze %get3A_441 : memref<1x128xi32, #tpu.memory_space<vmem>> -> memref<128xi32, #tpu.memory_space<vmem>>
    %get3A_443 = arith.constant 16 : index
    %get3A_444 = tpu.vector_load %get3A_442[%get3A_443] {strides = array<i32>} : memref<128xi32, #tpu.memory_space<vmem>>, vector<16xi32>,
    %shift_right_arithmetic3A_445 = arith.constant 7 : i32
    %shift_right_arithmetic3A_446 = vector.broadcast %shift_right_arithmetic3A_445 : i32 to vector<16xi32>
    %shift_right_arithmetic3A_447 = arith.shrsi %get3A_444, %shift_right_arithmetic3A_446 : vector<16xi32>
    %mul3A_448 = arith.constant 896 : i32
    %mul3A_449 = vector.broadcast %mul3A_448 : i32 to vector<16xi32>
    %mul3A_450 = arith.muli %shift_right_arithmetic3A_447, %mul3A_449 : vector<16xi32>
    %add3A_451 = arith.addi %get3A_444, %mul3A_450 : vector<16xi32>
    %add3A_452 = arith.constant 139264 : i32
    %add3A_453 = arith.addi %mul3A_13, %add3A_452 : i32
    %add3A_454 = vector.broadcast %add3A_453 : i32 to vector<16xi32>
    %add3A_455 = arith.addi %add3A_11, %add3A_454 : vector<16xi32>
    %add3A_456 = arith.addi %add3A_451, %add3A_455 : vector<16xi32>
    %swap3A_457 = arith.constant 2 : i32
    %swap3A_458 = arith.constant 0 : i32
    %swap3A_459 = tpu.memref_slice %arg6[%swap3A_457, %swap3A_458] : memref<4x128xi32, #tpu.memory_space<vmem>> -> memref<1x128xi32, #tpu.memory_space<vmem>>
    %swap3A_460 = tpu.memref_squeeze %swap3A_459 : memref<1x128xi32, #tpu.memory_space<vmem>> -> memref<128xi32, #tpu.memory_space<vmem>>
    %swap3A_461 = arith.constant 16 : index
    %swap3A_462 = tpu.vector_load %swap3A_460[%swap3A_461] {strides = array<i32>} : memref<128xi32, #tpu.memory_space<vmem>>, vector<16xi32>,
    tpu.vector_store %swap3A_460[%swap3A_461], %add3A_456 {strides = array<i32>} : memref<128xi32, #tpu.memory_space<vmem>>, vector<16xi32>,
    %get3A_463 = arith.constant 2 : i32
    %get3A_464 = arith.constant 0 : i32
    %get3A_465 = tpu.memref_slice %arg6[%get3A_463, %get3A_464] : memref<4x128xi32, #tpu.memory_space<vmem>> -> memref<1x128xi32, #tpu.memory_space<vmem>>
    %get3A_466 = tpu.memref_squeeze %get3A_465 : memref<1x128xi32, #tpu.memory_space<vmem>> -> memref<128xi32, #tpu.memory_space<vmem>>
    %get3A_467 = arith.constant 32 : index
    %get3A_468 = tpu.vector_load %get3A_466[%get3A_467] {strides = array<i32>} : memref<128xi32, #tpu.memory_space<vmem>>, vector<16xi32>,
    %shift_right_arithmetic3A_469 = arith.constant 7 : i32
    %shift_right_arithmetic3A_470 = vector.broadcast %shift_right_arithmetic3A_469 : i32 to vector<16xi32>
    %shift_right_arithmetic3A_471 = arith.shrsi %get3A_468, %shift_right_arithmetic3A_470 : vector<16xi32>
    %mul3A_472 = arith.constant 896 : i32
    %mul3A_473 = vector.broadcast %mul3A_472 : i32 to vector<16xi32>
    %mul3A_474 = arith.muli %shift_right_arithmetic3A_471, %mul3A_473 : vector<16xi32>
    %add3A_475 = arith.addi %get3A_468, %mul3A_474 : vector<16xi32>
    %add3A_476 = arith.constant 147456 : i32
    %add3A_477 = arith.addi %mul3A_13, %add3A_476 : i32
    %add3A_478 = vector.broadcast %add3A_477 : i32 to vector<16xi32>
    %add3A_479 = arith.addi %add3A_11, %add3A_478 : vector<16xi32>
    %add3A_480 = arith.addi %add3A_475, %add3A_479 : vector<16xi32>
    %swap3A_481 = arith.constant 2 : i32
    %swap3A_482 = arith.constant 0 : i32
    %swap3A_483 = tpu.memref_slice %arg6[%swap3A_481, %swap3A_482] : memref<4x128xi32, #tpu.memory_space<vmem>> -> memref<1x128xi32, #tpu.memory_space<vmem>>
    %swap3A_484 = tpu.memref_squeeze %swap3A_483 : memref<1x128xi32, #tpu.memory_space<vmem>> -> memref<128xi32, #tpu.memory_space<vmem>>
    %swap3A_485 = arith.constant 32 : index
    %swap3A_486 = tpu.vector_load %swap3A_484[%swap3A_485] {strides = array<i32>} : memref<128xi32, #tpu.memory_space<vmem>>, vector<16xi32>,
    tpu.vector_store %swap3A_484[%swap3A_485], %add3A_480 {strides = array<i32>} : memref<128xi32, #tpu.memory_space<vmem>>, vector<16xi32>,
    %get3A_487 = arith.constant 2 : i32
    %get3A_488 = arith.constant 0 : i32
    %get3A_489 = tpu.memref_slice %arg6[%get3A_487, %get3A_488] : memref<4x128xi32, #tpu.memory_space<vmem>> -> memref<1x128xi32, #tpu.memory_space<vmem>>
    %get3A_490 = tpu.memref_squeeze %get3A_489 : memref<1x128xi32, #tpu.memory_space<vmem>> -> memref<128xi32, #tpu.memory_space<vmem>>
    %get3A_491 = arith.constant 48 : index
    %get3A_492 = tpu.vector_load %get3A_490[%get3A_491] {strides = array<i32>} : memref<128xi32, #tpu.memory_space<vmem>>, vector<16xi32>,
    %shift_right_arithmetic3A_493 = arith.constant 7 : i32
    %shift_right_arithmetic3A_494 = vector.broadcast %shift_right_arithmetic3A_493 : i32 to vector<16xi32>
    %shift_right_arithmetic3A_495 = arith.shrsi %get3A_492, %shift_right_arithmetic3A_494 : vector<16xi32>
    %mul3A_496 = arith.constant 896 : i32
    %mul3A_497 = vector.broadcast %mul3A_496 : i32 to vector<16xi32>
    %mul3A_498 = arith.muli %shift_right_arithmetic3A_495, %mul3A_497 : vector<16xi32>
    %add3A_499 = arith.addi %get3A_492, %mul3A_498 : vector<16xi32>
    %add3A_500 = arith.constant 155648 : i32
    %add3A_501 = arith.addi %mul3A_13, %add3A_500 : i32
    %add3A_502 = vector.broadcast %add3A_501 : i32 to vector<16xi32>
    %add3A_503 = arith.addi %add3A_11, %add3A_502 : vector<16xi32>
    %add3A_504 = arith.addi %add3A_499, %add3A_503 : vector<16xi32>
    %swap3A_505 = arith.constant 2 : i32
    %swap3A_506 = arith.constant 0 : i32
    %swap3A_507 = tpu.memref_slice %arg6[%swap3A_505, %swap3A_506] : memref<4x128xi32, #tpu.memory_space<vmem>> -> memref<1x128xi32, #tpu.memory_space<vmem>>
    %swap3A_508 = tpu.memref_squeeze %swap3A_507 : memref<1x128xi32, #tpu.memory_space<vmem>> -> memref<128xi32, #tpu.memory_space<vmem>>
    %swap3A_509 = arith.constant 48 : index
    %swap3A_510 = tpu.vector_load %swap3A_508[%swap3A_509] {strides = array<i32>} : memref<128xi32, #tpu.memory_space<vmem>>, vector<16xi32>,
    tpu.vector_store %swap3A_508[%swap3A_509], %add3A_504 {strides = array<i32>} : memref<128xi32, #tpu.memory_space<vmem>>, vector<16xi32>,
    %get3A_511 = arith.constant 2 : i32
    %get3A_512 = arith.constant 0 : i32
    %get3A_513 = tpu.memref_slice %arg6[%get3A_511, %get3A_512] : memref<4x128xi32, #tpu.memory_space<vmem>> -> memref<1x128xi32, #tpu.memory_space<vmem>>
    %get3A_514 = tpu.memref_squeeze %get3A_513 : memref<1x128xi32, #tpu.memory_space<vmem>> -> memref<128xi32, #tpu.memory_space<vmem>>
    %get3A_515 = arith.constant 64 : index
    %get3A_516 = tpu.vector_load %get3A_514[%get3A_515] {strides = array<i32>} : memref<128xi32, #tpu.memory_space<vmem>>, vector<16xi32>,
    %shift_right_arithmetic3A_517 = arith.constant 7 : i32
    %shift_right_arithmetic3A_518 = vector.broadcast %shift_right_arithmetic3A_517 : i32 to vector<16xi32>
    %shift_right_arithmetic3A_519 = arith.shrsi %get3A_516, %shift_right_arithmetic3A_518 : vector<16xi32>
    %mul3A_520 = arith.constant 896 : i32
    %mul3A_521 = vector.broadcast %mul3A_520 : i32 to vector<16xi32>
    %mul3A_522 = arith.muli %shift_right_arithmetic3A_519, %mul3A_521 : vector<16xi32>
    %add3A_523 = arith.addi %get3A_516, %mul3A_522 : vector<16xi32>
    %add3A_524 = arith.constant 163840 : i32
    %add3A_525 = arith.addi %mul3A_13, %add3A_524 : i32
    %add3A_526 = vector.broadcast %add3A_525 : i32 to vector<16xi32>
    %add3A_527 = arith.addi %add3A_11, %add3A_526 : vector<16xi32>
    %add3A_528 = arith.addi %add3A_523, %add3A_527 : vector<16xi32>
    %swap3A_529 = arith.constant 2 : i32
    %swap3A_530 = arith.constant 0 : i32
    %swap3A_531 = tpu.memref_slice %arg6[%swap3A_529, %swap3A_530] : memref<4x128xi32, #tpu.memory_space<vmem>> -> memref<1x128xi32, #tpu.memory_space<vmem>>
    %swap3A_532 = tpu.memref_squeeze %swap3A_531 : memref<1x128xi32, #tpu.memory_space<vmem>> -> memref<128xi32, #tpu.memory_space<vmem>>
    %swap3A_533 = arith.constant 64 : index
    %swap3A_534 = tpu.vector_load %swap3A_532[%swap3A_533] {strides = array<i32>} : memref<128xi32, #tpu.memory_space<vmem>>, vector<16xi32>,
    tpu.vector_store %swap3A_532[%swap3A_533], %add3A_528 {strides = array<i32>} : memref<128xi32, #tpu.memory_space<vmem>>, vector<16xi32>,
    %get3A_535 = arith.constant 2 : i32
    %get3A_536 = arith.constant 0 : i32
    %get3A_537 = tpu.memref_slice %arg6[%get3A_535, %get3A_536] : memref<4x128xi32, #tpu.memory_space<vmem>> -> memref<1x128xi32, #tpu.memory_space<vmem>>
    %get3A_538 = tpu.memref_squeeze %get3A_537 : memref<1x128xi32, #tpu.memory_space<vmem>> -> memref<128xi32, #tpu.memory_space<vmem>>
    %get3A_539 = arith.constant 80 : index
    %get3A_540 = tpu.vector_load %get3A_538[%get3A_539] {strides = array<i32>} : memref<128xi32, #tpu.memory_space<vmem>>, vector<16xi32>,
    %shift_right_arithmetic3A_541 = arith.constant 7 : i32
    %shift_right_arithmetic3A_542 = vector.broadcast %shift_right_arithmetic3A_541 : i32 to vector<16xi32>
    %shift_right_arithmetic3A_543 = arith.shrsi %get3A_540, %shift_right_arithmetic3A_542 : vector<16xi32>
    %mul3A_544 = arith.constant 896 : i32
    %mul3A_545 = vector.broadcast %mul3A_544 : i32 to vector<16xi32>
    %mul3A_546 = arith.muli %shift_right_arithmetic3A_543, %mul3A_545 : vector<16xi32>
    %add3A_547 = arith.addi %get3A_540, %mul3A_546 : vector<16xi32>
    %add3A_548 = arith.constant 172032 : i32
    %add3A_549 = arith.addi %mul3A_13, %add3A_548 : i32
    %add3A_550 = vector.broadcast %add3A_549 : i32 to vector<16xi32>
    %add3A_551 = arith.addi %add3A_11, %add3A_550 : vector<16xi32>
    %add3A_552 = arith.addi %add3A_547, %add3A_551 : vector<16xi32>
    %swap3A_553 = arith.constant 2 : i32
    %swap3A_554 = arith.constant 0 : i32
    %swap3A_555 = tpu.memref_slice %arg6[%swap3A_553, %swap3A_554] : memref<4x128xi32, #tpu.memory_space<vmem>> -> memref<1x128xi32, #tpu.memory_space<vmem>>
    %swap3A_556 = tpu.memref_squeeze %swap3A_555 : memref<1x128xi32, #tpu.memory_space<vmem>> -> memref<128xi32, #tpu.memory_space<vmem>>
    %swap3A_557 = arith.constant 80 : index
    %swap3A_558 = tpu.vector_load %swap3A_556[%swap3A_557] {strides = array<i32>} : memref<128xi32, #tpu.memory_space<vmem>>, vector<16xi32>,
    tpu.vector_store %swap3A_556[%swap3A_557], %add3A_552 {strides = array<i32>} : memref<128xi32, #tpu.memory_space<vmem>>, vector<16xi32>,
    %get3A_559 = arith.constant 2 : i32
    %get3A_560 = arith.constant 0 : i32
    %get3A_561 = tpu.memref_slice %arg6[%get3A_559, %get3A_560] : memref<4x128xi32, #tpu.memory_space<vmem>> -> memref<1x128xi32, #tpu.memory_space<vmem>>
    %get3A_562 = tpu.memref_squeeze %get3A_561 : memref<1x128xi32, #tpu.memory_space<vmem>> -> memref<128xi32, #tpu.memory_space<vmem>>
    %get3A_563 = arith.constant 96 : index
    %get3A_564 = tpu.vector_load %get3A_562[%get3A_563] {strides = array<i32>} : memref<128xi32, #tpu.memory_space<vmem>>, vector<16xi32>,
    %shift_right_arithmetic3A_565 = arith.constant 7 : i32
    %shift_right_arithmetic3A_566 = vector.broadcast %shift_right_arithmetic3A_565 : i32 to vector<16xi32>
    %shift_right_arithmetic3A_567 = arith.shrsi %get3A_564, %shift_right_arithmetic3A_566 : vector<16xi32>
    %mul3A_568 = arith.constant 896 : i32
    %mul3A_569 = vector.broadcast %mul3A_568 : i32 to vector<16xi32>
    %mul3A_570 = arith.muli %shift_right_arithmetic3A_567, %mul3A_569 : vector<16xi32>
    %add3A_571 = arith.addi %get3A_564, %mul3A_570 : vector<16xi32>
    %add3A_572 = arith.constant 180224 : i32
    %add3A_573 = arith.addi %mul3A_13, %add3A_572 : i32
    %add3A_574 = vector.broadcast %add3A_573 : i32 to vector<16xi32>
    %add3A_575 = arith.addi %add3A_11, %add3A_574 : vector<16xi32>
    %add3A_576 = arith.addi %add3A_571, %add3A_575 : vector<16xi32>
    %swap3A_577 = arith.constant 2 : i32
    %swap3A_578 = arith.constant 0 : i32
    %swap3A_579 = tpu.memref_slice %arg6[%swap3A_577, %swap3A_578] : memref<4x128xi32, #tpu.memory_space<vmem>> -> memref<1x128xi32, #tpu.memory_space<vmem>>
    %swap3A_580 = tpu.memref_squeeze %swap3A_579 : memref<1x128xi32, #tpu.memory_space<vmem>> -> memref<128xi32, #tpu.memory_space<vmem>>
    %swap3A_581 = arith.constant 96 : index
    %swap3A_582 = tpu.vector_load %swap3A_580[%swap3A_581] {strides = array<i32>} : memref<128xi32, #tpu.memory_space<vmem>>, vector<16xi32>,
    tpu.vector_store %swap3A_580[%swap3A_581], %add3A_576 {strides = array<i32>} : memref<128xi32, #tpu.memory_space<vmem>>, vector<16xi32>,
    %get3A_583 = arith.constant 2 : i32
    %get3A_584 = arith.constant 0 : i32
    %get3A_585 = tpu.memref_slice %arg6[%get3A_583, %get3A_584] : memref<4x128xi32, #tpu.memory_space<vmem>> -> memref<1x128xi32, #tpu.memory_space<vmem>>
    %get3A_586 = tpu.memref_squeeze %get3A_585 : memref<1x128xi32, #tpu.memory_space<vmem>> -> memref<128xi32, #tpu.memory_space<vmem>>
    %get3A_587 = arith.constant 112 : index
    %get3A_588 = tpu.vector_load %get3A_586[%get3A_587] {strides = array<i32>} : memref<128xi32, #tpu.memory_space<vmem>>, vector<16xi32>,
    %shift_right_arithmetic3A_589 = arith.constant 7 : i32
    %shift_right_arithmetic3A_590 = vector.broadcast %shift_right_arithmetic3A_589 : i32 to vector<16xi32>
    %shift_right_arithmetic3A_591 = arith.shrsi %get3A_588, %shift_right_arithmetic3A_590 : vector<16xi32>
    %mul3A_592 = arith.constant 896 : i32
    %mul3A_593 = vector.broadcast %mul3A_592 : i32 to vector<16xi32>
    %mul3A_594 = arith.muli %shift_right_arithmetic3A_591, %mul3A_593 : vector<16xi32>
    %add3A_595 = arith.addi %get3A_588, %mul3A_594 : vector<16xi32>
    %add3A_596 = arith.constant 188416 : i32
    %add3A_597 = arith.addi %mul3A_13, %add3A_596 : i32
    %add3A_598 = vector.broadcast %add3A_597 : i32 to vector<16xi32>
    %add3A_599 = arith.addi %add3A_11, %add3A_598 : vector<16xi32>
    %add3A_600 = arith.addi %add3A_595, %add3A_599 : vector<16xi32>
    %swap3A_601 = arith.constant 2 : i32
    %swap3A_602 = arith.constant 0 : i32
    %swap3A_603 = tpu.memref_slice %arg6[%swap3A_601, %swap3A_602] : memref<4x128xi32, #tpu.memory_space<vmem>> -> memref<1x128xi32, #tpu.memory_space<vmem>>
    %swap3A_604 = tpu.memref_squeeze %swap3A_603 : memref<1x128xi32, #tpu.memory_space<vmem>> -> memref<128xi32, #tpu.memory_space<vmem>>
    %swap3A_605 = arith.constant 112 : index
    %swap3A_606 = tpu.vector_load %swap3A_604[%swap3A_605] {strides = array<i32>} : memref<128xi32, #tpu.memory_space<vmem>>, vector<16xi32>,
    tpu.vector_store %swap3A_604[%swap3A_605], %add3A_600 {strides = array<i32>} : memref<128xi32, #tpu.memory_space<vmem>>, vector<16xi32>,
    %dma_start3A_607 = arith.constant 2 : i32
    %dma_start3A_608 = arith.constant 2 : i32
    %dma_start3A_609 = arith.constant 0 : i32
    %dma_start3A_610 = tpu.memref_slice %arg7[%dma_start3A_608, %dma_start3A_609] : memref<4x128xf32, #tpu.memory_space<vmem>> -> memref<1x128xf32, #tpu.memory_space<vmem>>
    %dma_start3A_611 = tpu.memref_squeeze %dma_start3A_610 : memref<1x128xf32, #tpu.memory_space<vmem>> -> memref<128xf32, #tpu.memory_space<vmem>>
    %dma_start3A_612 = arith.constant 0 : i32
    %dma_start3A_613 = tpu.memref_slice %arg6[%dma_start3A_607, %dma_start3A_612] : memref<4x128xi32, #tpu.memory_space<vmem>> -> memref<1x128xi32, #tpu.memory_space<vmem>>
    %dma_start3A_614 = tpu.memref_squeeze %dma_start3A_613 : memref<1x128xi32, #tpu.memory_space<vmem>> -> memref<128xi32, #tpu.memory_space<vmem>>
    %dma_start3A_615 = arith.constant 0 : i32
    %dma_start3A_616 = tpu.memref_slice %arg2[%dma_start3A_615] : memref<8388608xf32, #tpu.memory_space<hbm>> -> memref<8388608xf32, #tpu.memory_space<hbm>>
    tpu.enqueue_indirect_dma source(%dma_start3A_616 : memref<8388608xf32, #tpu.memory_space<hbm>>) target(%dma_start3A_611 : memref<128xf32, #tpu.memory_space<vmem>>) offsets(%dma_start3A_614 : memref<128xi32, #tpu.memory_space<vmem>>) semaphore(%arg10 : memref<!tpu.dma_semaphore, #tpu.memory_space<semaphore_mem>>)
    %get3A_617 = arith.constant 3 : i32
    %get3A_618 = arith.constant 0 : i32
    %get3A_619 = tpu.memref_slice %arg6[%get3A_617, %get3A_618] : memref<4x128xi32, #tpu.memory_space<vmem>> -> memref<1x128xi32, #tpu.memory_space<vmem>>
    %get3A_620 = tpu.memref_squeeze %get3A_619 : memref<1x128xi32, #tpu.memory_space<vmem>> -> memref<128xi32, #tpu.memory_space<vmem>>
    %get3A_621 = arith.constant 0 : index
    %get3A_622 = tpu.vector_load %get3A_620[%get3A_621] {strides = array<i32>} : memref<128xi32, #tpu.memory_space<vmem>>, vector<16xi32>,
    %shift_right_arithmetic3A_623 = arith.constant 7 : i32
    %shift_right_arithmetic3A_624 = vector.broadcast %shift_right_arithmetic3A_623 : i32 to vector<16xi32>
    %shift_right_arithmetic3A_625 = arith.shrsi %get3A_622, %shift_right_arithmetic3A_624 : vector<16xi32>
    %mul3A_626 = arith.constant 896 : i32
    %mul3A_627 = vector.broadcast %mul3A_626 : i32 to vector<16xi32>
    %mul3A_628 = arith.muli %shift_right_arithmetic3A_625, %mul3A_627 : vector<16xi32>
    %add3A_629 = arith.addi %get3A_622, %mul3A_628 : vector<16xi32>
    %add3A_630 = arith.constant 196608 : i32
    %add3A_631 = arith.addi %mul3A_13, %add3A_630 : i32
    %add3A_632 = vector.broadcast %add3A_631 : i32 to vector<16xi32>
    %add3A_633 = arith.addi %add3A_11, %add3A_632 : vector<16xi32>
    %add3A_634 = arith.addi %add3A_629, %add3A_633 : vector<16xi32>
    %swap3A_635 = arith.constant 3 : i32
    %swap3A_636 = arith.constant 0 : i32
    %swap3A_637 = tpu.memref_slice %arg6[%swap3A_635, %swap3A_636] : memref<4x128xi32, #tpu.memory_space<vmem>> -> memref<1x128xi32, #tpu.memory_space<vmem>>
    %swap3A_638 = tpu.memref_squeeze %swap3A_637 : memref<1x128xi32, #tpu.memory_space<vmem>> -> memref<128xi32, #tpu.memory_space<vmem>>
    %swap3A_639 = arith.constant 0 : index
    %swap3A_640 = tpu.vector_load %swap3A_638[%swap3A_639] {strides = array<i32>} : memref<128xi32, #tpu.memory_space<vmem>>, vector<16xi32>,
    tpu.vector_store %swap3A_638[%swap3A_639], %add3A_634 {strides = array<i32>} : memref<128xi32, #tpu.memory_space<vmem>>, vector<16xi32>,
    %get3A_641 = arith.constant 3 : i32
    %get3A_642 = arith.constant 0 : i32
    %get3A_643 = tpu.memref_slice %arg6[%get3A_641, %get3A_642] : memref<4x128xi32, #tpu.memory_space<vmem>> -> memref<1x128xi32, #tpu.memory_space<vmem>>
    %get3A_644 = tpu.memref_squeeze %get3A_643 : memref<1x128xi32, #tpu.memory_space<vmem>> -> memref<128xi32, #tpu.memory_space<vmem>>
    %get3A_645 = arith.constant 16 : index
    %get3A_646 = tpu.vector_load %get3A_644[%get3A_645] {strides = array<i32>} : memref<128xi32, #tpu.memory_space<vmem>>, vector<16xi32>,
    %shift_right_arithmetic3A_647 = arith.constant 7 : i32
    %shift_right_arithmetic3A_648 = vector.broadcast %shift_right_arithmetic3A_647 : i32 to vector<16xi32>
    %shift_right_arithmetic3A_649 = arith.shrsi %get3A_646, %shift_right_arithmetic3A_648 : vector<16xi32>
    %mul3A_650 = arith.constant 896 : i32
    %mul3A_651 = vector.broadcast %mul3A_650 : i32 to vector<16xi32>
    %mul3A_652 = arith.muli %shift_right_arithmetic3A_649, %mul3A_651 : vector<16xi32>
    %add3A_653 = arith.addi %get3A_646, %mul3A_652 : vector<16xi32>
    %add3A_654 = arith.constant 204800 : i32
    %add3A_655 = arith.addi %mul3A_13, %add3A_654 : i32
    %add3A_656 = vector.broadcast %add3A_655 : i32 to vector<16xi32>
    %add3A_657 = arith.addi %add3A_11, %add3A_656 : vector<16xi32>
    %add3A_658 = arith.addi %add3A_653, %add3A_657 : vector<16xi32>
    %swap3A_659 = arith.constant 3 : i32
    %swap3A_660 = arith.constant 0 : i32
    %swap3A_661 = tpu.memref_slice %arg6[%swap3A_659, %swap3A_660] : memref<4x128xi32, #tpu.memory_space<vmem>> -> memref<1x128xi32, #tpu.memory_space<vmem>>
    %swap3A_662 = tpu.memref_squeeze %swap3A_661 : memref<1x128xi32, #tpu.memory_space<vmem>> -> memref<128xi32, #tpu.memory_space<vmem>>
    %swap3A_663 = arith.constant 16 : index
    %swap3A_664 = tpu.vector_load %swap3A_662[%swap3A_663] {strides = array<i32>} : memref<128xi32, #tpu.memory_space<vmem>>, vector<16xi32>,
    tpu.vector_store %swap3A_662[%swap3A_663], %add3A_658 {strides = array<i32>} : memref<128xi32, #tpu.memory_space<vmem>>, vector<16xi32>,
    %get3A_665 = arith.constant 3 : i32
    %get3A_666 = arith.constant 0 : i32
    %get3A_667 = tpu.memref_slice %arg6[%get3A_665, %get3A_666] : memref<4x128xi32, #tpu.memory_space<vmem>> -> memref<1x128xi32, #tpu.memory_space<vmem>>
    %get3A_668 = tpu.memref_squeeze %get3A_667 : memref<1x128xi32, #tpu.memory_space<vmem>> -> memref<128xi32, #tpu.memory_space<vmem>>
    %get3A_669 = arith.constant 32 : index
    %get3A_670 = tpu.vector_load %get3A_668[%get3A_669] {strides = array<i32>} : memref<128xi32, #tpu.memory_space<vmem>>, vector<16xi32>,
    %shift_right_arithmetic3A_671 = arith.constant 7 : i32
    %shift_right_arithmetic3A_672 = vector.broadcast %shift_right_arithmetic3A_671 : i32 to vector<16xi32>
    %shift_right_arithmetic3A_673 = arith.shrsi %get3A_670, %shift_right_arithmetic3A_672 : vector<16xi32>
    %mul3A_674 = arith.constant 896 : i32
    %mul3A_675 = vector.broadcast %mul3A_674 : i32 to vector<16xi32>
    %mul3A_676 = arith.muli %shift_right_arithmetic3A_673, %mul3A_675 : vector<16xi32>
    %add3A_677 = arith.addi %get3A_670, %mul3A_676 : vector<16xi32>
    %add3A_678 = arith.constant 212992 : i32
    %add3A_679 = arith.addi %mul3A_13, %add3A_678 : i32
    %add3A_680 = vector.broadcast %add3A_679 : i32 to vector<16xi32>
    %add3A_681 = arith.addi %add3A_11, %add3A_680 : vector<16xi32>
    %add3A_682 = arith.addi %add3A_677, %add3A_681 : vector<16xi32>
    %swap3A_683 = arith.constant 3 : i32
    %swap3A_684 = arith.constant 0 : i32
    %swap3A_685 = tpu.memref_slice %arg6[%swap3A_683, %swap3A_684] : memref<4x128xi32, #tpu.memory_space<vmem>> -> memref<1x128xi32, #tpu.memory_space<vmem>>
    %swap3A_686 = tpu.memref_squeeze %swap3A_685 : memref<1x128xi32, #tpu.memory_space<vmem>> -> memref<128xi32, #tpu.memory_space<vmem>>
    %swap3A_687 = arith.constant 32 : index
    %swap3A_688 = tpu.vector_load %swap3A_686[%swap3A_687] {strides = array<i32>} : memref<128xi32, #tpu.memory_space<vmem>>, vector<16xi32>,
    tpu.vector_store %swap3A_686[%swap3A_687], %add3A_682 {strides = array<i32>} : memref<128xi32, #tpu.memory_space<vmem>>, vector<16xi32>,
    %get3A_689 = arith.constant 3 : i32
    %get3A_690 = arith.constant 0 : i32
    %get3A_691 = tpu.memref_slice %arg6[%get3A_689, %get3A_690] : memref<4x128xi32, #tpu.memory_space<vmem>> -> memref<1x128xi32, #tpu.memory_space<vmem>>
    %get3A_692 = tpu.memref_squeeze %get3A_691 : memref<1x128xi32, #tpu.memory_space<vmem>> -> memref<128xi32, #tpu.memory_space<vmem>>
    %get3A_693 = arith.constant 48 : index
    %get3A_694 = tpu.vector_load %get3A_692[%get3A_693] {strides = array<i32>} : memref<128xi32, #tpu.memory_space<vmem>>, vector<16xi32>,
    %shift_right_arithmetic3A_695 = arith.constant 7 : i32
    %shift_right_arithmetic3A_696 = vector.broadcast %shift_right_arithmetic3A_695 : i32 to vector<16xi32>
    %shift_right_arithmetic3A_697 = arith.shrsi %get3A_694, %shift_right_arithmetic3A_696 : vector<16xi32>
    %mul3A_698 = arith.constant 896 : i32
    %mul3A_699 = vector.broadcast %mul3A_698 : i32 to vector<16xi32>
    %mul3A_700 = arith.muli %shift_right_arithmetic3A_697, %mul3A_699 : vector<16xi32>
    %add3A_701 = arith.addi %get3A_694, %mul3A_700 : vector<16xi32>
    %add3A_702 = arith.constant 221184 : i32
    %add3A_703 = arith.addi %mul3A_13, %add3A_702 : i32
    %add3A_704 = vector.broadcast %add3A_703 : i32 to vector<16xi32>
    %add3A_705 = arith.addi %add3A_11, %add3A_704 : vector<16xi32>
    %add3A_706 = arith.addi %add3A_701, %add3A_705 : vector<16xi32>
    %swap3A_707 = arith.constant 3 : i32
    %swap3A_708 = arith.constant 0 : i32
    %swap3A_709 = tpu.memref_slice %arg6[%swap3A_707, %swap3A_708] : memref<4x128xi32, #tpu.memory_space<vmem>> -> memref<1x128xi32, #tpu.memory_space<vmem>>
    %swap3A_710 = tpu.memref_squeeze %swap3A_709 : memref<1x128xi32, #tpu.memory_space<vmem>> -> memref<128xi32, #tpu.memory_space<vmem>>
    %swap3A_711 = arith.constant 48 : index
    %swap3A_712 = tpu.vector_load %swap3A_710[%swap3A_711] {strides = array<i32>} : memref<128xi32, #tpu.memory_space<vmem>>, vector<16xi32>,
    tpu.vector_store %swap3A_710[%swap3A_711], %add3A_706 {strides = array<i32>} : memref<128xi32, #tpu.memory_space<vmem>>, vector<16xi32>,
    %get3A_713 = arith.constant 3 : i32
    %get3A_714 = arith.constant 0 : i32
    %get3A_715 = tpu.memref_slice %arg6[%get3A_713, %get3A_714] : memref<4x128xi32, #tpu.memory_space<vmem>> -> memref<1x128xi32, #tpu.memory_space<vmem>>
    %get3A_716 = tpu.memref_squeeze %get3A_715 : memref<1x128xi32, #tpu.memory_space<vmem>> -> memref<128xi32, #tpu.memory_space<vmem>>
    %get3A_717 = arith.constant 64 : index
    %get3A_718 = tpu.vector_load %get3A_716[%get3A_717] {strides = array<i32>} : memref<128xi32, #tpu.memory_space<vmem>>, vector<16xi32>,
    %shift_right_arithmetic3A_719 = arith.constant 7 : i32
    %shift_right_arithmetic3A_720 = vector.broadcast %shift_right_arithmetic3A_719 : i32 to vector<16xi32>
    %shift_right_arithmetic3A_721 = arith.shrsi %get3A_718, %shift_right_arithmetic3A_720 : vector<16xi32>
    %mul3A_722 = arith.constant 896 : i32
    %mul3A_723 = vector.broadcast %mul3A_722 : i32 to vector<16xi32>
    %mul3A_724 = arith.muli %shift_right_arithmetic3A_721, %mul3A_723 : vector<16xi32>
    %add3A_725 = arith.addi %get3A_718, %mul3A_724 : vector<16xi32>
    %add3A_726 = arith.constant 229376 : i32
    %add3A_727 = arith.addi %mul3A_13, %add3A_726 : i32
    %add3A_728 = vector.broadcast %add3A_727 : i32 to vector<16xi32>
    %add3A_729 = arith.addi %add3A_11, %add3A_728 : vector<16xi32>
    %add3A_730 = arith.addi %add3A_725, %add3A_729 : vector<16xi32>
    %swap3A_731 = arith.constant 3 : i32
    %swap3A_732 = arith.constant 0 : i32
    %swap3A_733 = tpu.memref_slice %arg6[%swap3A_731, %swap3A_732] : memref<4x128xi32, #tpu.memory_space<vmem>> -> memref<1x128xi32, #tpu.memory_space<vmem>>
    %swap3A_734 = tpu.memref_squeeze %swap3A_733 : memref<1x128xi32, #tpu.memory_space<vmem>> -> memref<128xi32, #tpu.memory_space<vmem>>
    %swap3A_735 = arith.constant 64 : index
    %swap3A_736 = tpu.vector_load %swap3A_734[%swap3A_735] {strides = array<i32>} : memref<128xi32, #tpu.memory_space<vmem>>, vector<16xi32>,
    tpu.vector_store %swap3A_734[%swap3A_735], %add3A_730 {strides = array<i32>} : memref<128xi32, #tpu.memory_space<vmem>>, vector<16xi32>,
    %get3A_737 = arith.constant 3 : i32
    %get3A_738 = arith.constant 0 : i32
    %get3A_739 = tpu.memref_slice %arg6[%get3A_737, %get3A_738] : memref<4x128xi32, #tpu.memory_space<vmem>> -> memref<1x128xi32, #tpu.memory_space<vmem>>
    %get3A_740 = tpu.memref_squeeze %get3A_739 : memref<1x128xi32, #tpu.memory_space<vmem>> -> memref<128xi32, #tpu.memory_space<vmem>>
    %get3A_741 = arith.constant 80 : index
    %get3A_742 = tpu.vector_load %get3A_740[%get3A_741] {strides = array<i32>} : memref<128xi32, #tpu.memory_space<vmem>>, vector<16xi32>,
    %shift_right_arithmetic3A_743 = arith.constant 7 : i32
    %shift_right_arithmetic3A_744 = vector.broadcast %shift_right_arithmetic3A_743 : i32 to vector<16xi32>
    %shift_right_arithmetic3A_745 = arith.shrsi %get3A_742, %shift_right_arithmetic3A_744 : vector<16xi32>
    %mul3A_746 = arith.constant 896 : i32
    %mul3A_747 = vector.broadcast %mul3A_746 : i32 to vector<16xi32>
    %mul3A_748 = arith.muli %shift_right_arithmetic3A_745, %mul3A_747 : vector<16xi32>
    %add3A_749 = arith.addi %get3A_742, %mul3A_748 : vector<16xi32>
    %add3A_750 = arith.constant 237568 : i32
    %add3A_751 = arith.addi %mul3A_13, %add3A_750 : i32
    %add3A_752 = vector.broadcast %add3A_751 : i32 to vector<16xi32>
    %add3A_753 = arith.addi %add3A_11, %add3A_752 : vector<16xi32>
    %add3A_754 = arith.addi %add3A_749, %add3A_753 : vector<16xi32>
    %swap3A_755 = arith.constant 3 : i32
    %swap3A_756 = arith.constant 0 : i32
    %swap3A_757 = tpu.memref_slice %arg6[%swap3A_755, %swap3A_756] : memref<4x128xi32, #tpu.memory_space<vmem>> -> memref<1x128xi32, #tpu.memory_space<vmem>>
    %swap3A_758 = tpu.memref_squeeze %swap3A_757 : memref<1x128xi32, #tpu.memory_space<vmem>> -> memref<128xi32, #tpu.memory_space<vmem>>
    %swap3A_759 = arith.constant 80 : index
    %swap3A_760 = tpu.vector_load %swap3A_758[%swap3A_759] {strides = array<i32>} : memref<128xi32, #tpu.memory_space<vmem>>, vector<16xi32>,
    tpu.vector_store %swap3A_758[%swap3A_759], %add3A_754 {strides = array<i32>} : memref<128xi32, #tpu.memory_space<vmem>>, vector<16xi32>,
    %get3A_761 = arith.constant 3 : i32
    %get3A_762 = arith.constant 0 : i32
    %get3A_763 = tpu.memref_slice %arg6[%get3A_761, %get3A_762] : memref<4x128xi32, #tpu.memory_space<vmem>> -> memref<1x128xi32, #tpu.memory_space<vmem>>
    %get3A_764 = tpu.memref_squeeze %get3A_763 : memref<1x128xi32, #tpu.memory_space<vmem>> -> memref<128xi32, #tpu.memory_space<vmem>>
    %get3A_765 = arith.constant 96 : index
    %get3A_766 = tpu.vector_load %get3A_764[%get3A_765] {strides = array<i32>} : memref<128xi32, #tpu.memory_space<vmem>>, vector<16xi32>,
    %shift_right_arithmetic3A_767 = arith.constant 7 : i32
    %shift_right_arithmetic3A_768 = vector.broadcast %shift_right_arithmetic3A_767 : i32 to vector<16xi32>
    %shift_right_arithmetic3A_769 = arith.shrsi %get3A_766, %shift_right_arithmetic3A_768 : vector<16xi32>
    %mul3A_770 = arith.constant 896 : i32
    %mul3A_771 = vector.broadcast %mul3A_770 : i32 to vector<16xi32>
    %mul3A_772 = arith.muli %shift_right_arithmetic3A_769, %mul3A_771 : vector<16xi32>
    %add3A_773 = arith.addi %get3A_766, %mul3A_772 : vector<16xi32>
    %add3A_774 = arith.constant 245760 : i32
    %add3A_775 = arith.addi %mul3A_13, %add3A_774 : i32
    %add3A_776 = vector.broadcast %add3A_775 : i32 to vector<16xi32>
    %add3A_777 = arith.addi %add3A_11, %add3A_776 : vector<16xi32>
    %add3A_778 = arith.addi %add3A_773, %add3A_777 : vector<16xi32>
    %swap3A_779 = arith.constant 3 : i32
    %swap3A_780 = arith.constant 0 : i32
    %swap3A_781 = tpu.memref_slice %arg6[%swap3A_779, %swap3A_780] : memref<4x128xi32, #tpu.memory_space<vmem>> -> memref<1x128xi32, #tpu.memory_space<vmem>>
    %swap3A_782 = tpu.memref_squeeze %swap3A_781 : memref<1x128xi32, #tpu.memory_space<vmem>> -> memref<128xi32, #tpu.memory_space<vmem>>
    %swap3A_783 = arith.constant 96 : index
    %swap3A_784 = tpu.vector_load %swap3A_782[%swap3A_783] {strides = array<i32>} : memref<128xi32, #tpu.memory_space<vmem>>, vector<16xi32>,
    tpu.vector_store %swap3A_782[%swap3A_783], %add3A_778 {strides = array<i32>} : memref<128xi32, #tpu.memory_space<vmem>>, vector<16xi32>,
    %get3A_785 = arith.constant 3 : i32
    %get3A_786 = arith.constant 0 : i32
    %get3A_787 = tpu.memref_slice %arg6[%get3A_785, %get3A_786] : memref<4x128xi32, #tpu.memory_space<vmem>> -> memref<1x128xi32, #tpu.memory_space<vmem>>
    %get3A_788 = tpu.memref_squeeze %get3A_787 : memref<1x128xi32, #tpu.memory_space<vmem>> -> memref<128xi32, #tpu.memory_space<vmem>>
    %get3A_789 = arith.constant 112 : index
    %get3A_790 = tpu.vector_load %get3A_788[%get3A_789] {strides = array<i32>} : memref<128xi32, #tpu.memory_space<vmem>>, vector<16xi32>,
    %shift_right_arithmetic3A_791 = arith.constant 7 : i32
    %shift_right_arithmetic3A_792 = vector.broadcast %shift_right_arithmetic3A_791 : i32 to vector<16xi32>
    %shift_right_arithmetic3A_793 = arith.shrsi %get3A_790, %shift_right_arithmetic3A_792 : vector<16xi32>
    %mul3A_794 = arith.constant 896 : i32
    %mul3A_795 = vector.broadcast %mul3A_794 : i32 to vector<16xi32>
    %mul3A_796 = arith.muli %shift_right_arithmetic3A_793, %mul3A_795 : vector<16xi32>
    %add3A_797 = arith.addi %get3A_790, %mul3A_796 : vector<16xi32>
    %add3A_798 = arith.constant 253952 : i32
    %add3A_799 = arith.addi %mul3A_13, %add3A_798 : i32
    %add3A_800 = vector.broadcast %add3A_799 : i32 to vector<16xi32>
    %add3A_801 = arith.addi %add3A_11, %add3A_800 : vector<16xi32>
    %add3A_802 = arith.addi %add3A_797, %add3A_801 : vector<16xi32>
    %swap3A_803 = arith.constant 3 : i32
    %swap3A_804 = arith.constant 0 : i32
    %swap3A_805 = tpu.memref_slice %arg6[%swap3A_803, %swap3A_804] : memref<4x128xi32, #tpu.memory_space<vmem>> -> memref<1x128xi32, #tpu.memory_space<vmem>>
    %swap3A_806 = tpu.memref_squeeze %swap3A_805 : memref<1x128xi32, #tpu.memory_space<vmem>> -> memref<128xi32, #tpu.memory_space<vmem>>
    %swap3A_807 = arith.constant 112 : index
    %swap3A_808 = tpu.vector_load %swap3A_806[%swap3A_807] {strides = array<i32>} : memref<128xi32, #tpu.memory_space<vmem>>, vector<16xi32>,
    tpu.vector_store %swap3A_806[%swap3A_807], %add3A_802 {strides = array<i32>} : memref<128xi32, #tpu.memory_space<vmem>>, vector<16xi32>,
    %dma_start3A_809 = arith.constant 3 : i32
    %dma_start3A_810 = arith.constant 3 : i32
    %dma_start3A_811 = arith.constant 0 : i32
    %dma_start3A_812 = tpu.memref_slice %arg7[%dma_start3A_810, %dma_start3A_811] : memref<4x128xf32, #tpu.memory_space<vmem>> -> memref<1x128xf32, #tpu.memory_space<vmem>>
    %dma_start3A_813 = tpu.memref_squeeze %dma_start3A_812 : memref<1x128xf32, #tpu.memory_space<vmem>> -> memref<128xf32, #tpu.memory_space<vmem>>
    %dma_start3A_814 = arith.constant 0 : i32
    %dma_start3A_815 = tpu.memref_slice %arg6[%dma_start3A_809, %dma_start3A_814] : memref<4x128xi32, #tpu.memory_space<vmem>> -> memref<1x128xi32, #tpu.memory_space<vmem>>
    %dma_start3A_816 = tpu.memref_squeeze %dma_start3A_815 : memref<1x128xi32, #tpu.memory_space<vmem>> -> memref<128xi32, #tpu.memory_space<vmem>>
    %dma_start3A_817 = arith.constant 0 : i32
    %dma_start3A_818 = tpu.memref_slice %arg2[%dma_start3A_817] : memref<8388608xf32, #tpu.memory_space<hbm>> -> memref<8388608xf32, #tpu.memory_space<hbm>>
    tpu.enqueue_indirect_dma source(%dma_start3A_818 : memref<8388608xf32, #tpu.memory_space<hbm>>) target(%dma_start3A_813 : memref<128xf32, #tpu.memory_space<vmem>>) offsets(%dma_start3A_816 : memref<128xi32, #tpu.memory_space<vmem>>) semaphore(%arg11 : memref<!tpu.dma_semaphore, #tpu.memory_space<semaphore_mem>>)
    %dma_wait3A = arith.constant 0 : i32
    %dma_wait3A_819 = arith.constant 0 : i32
    %dma_wait3A_820 = arith.constant 0 : i32
    %dma_wait3A_821 = tpu.memref_slice %arg7[%dma_wait3A_819, %dma_wait3A_820] : memref<4x128xf32, #tpu.memory_space<vmem>> -> memref<1x128xf32, #tpu.memory_space<vmem>>
    %dma_wait3A_822 = tpu.memref_squeeze %dma_wait3A_821 : memref<1x128xf32, #tpu.memory_space<vmem>> -> memref<128xf32, #tpu.memory_space<vmem>>
    %dma_wait3A_823 = arith.constant 0 : i32
    %dma_wait3A_824 = tpu.memref_slice %arg6[%dma_wait3A, %dma_wait3A_823] : memref<4x128xi32, #tpu.memory_space<vmem>> -> memref<1x128xi32, #tpu.memory_space<vmem>>
    %dma_wait3A_825 = tpu.memref_squeeze %dma_wait3A_824 : memref<1x128xi32, #tpu.memory_space<vmem>> -> memref<128xi32, #tpu.memory_space<vmem>>
    %dma_wait3A_826 = arith.constant 0 : i32
    %dma_wait3A_827 = tpu.memref_slice %arg2[%dma_wait3A_826] : memref<8388608xf32, #tpu.memory_space<hbm>> -> memref<8388608xf32, #tpu.memory_space<hbm>>
    tpu.wait_indirect_dma semaphore(%arg8 : memref<!tpu.dma_semaphore, #tpu.memory_space<semaphore_mem>>) src(%dma_wait3A_827 : memref<8388608xf32, #tpu.memory_space<hbm>>) dst(%dma_wait3A_822 : memref<128xf32, #tpu.memory_space<vmem>>)
    %dma_wait3A_828 = arith.constant 1 : i32
    %dma_wait3A_829 = arith.constant 1 : i32
    %dma_wait3A_830 = arith.constant 0 : i32
    %dma_wait3A_831 = tpu.memref_slice %arg7[%dma_wait3A_829, %dma_wait3A_830] : memref<4x128xf32, #tpu.memory_space<vmem>> -> memref<1x128xf32, #tpu.memory_space<vmem>>
    %dma_wait3A_832 = tpu.memref_squeeze %dma_wait3A_831 : memref<1x128xf32, #tpu.memory_space<vmem>> -> memref<128xf32, #tpu.memory_space<vmem>>
    %dma_wait3A_833 = arith.constant 0 : i32
    %dma_wait3A_834 = tpu.memref_slice %arg6[%dma_wait3A_828, %dma_wait3A_833] : memref<4x128xi32, #tpu.memory_space<vmem>> -> memref<1x128xi32, #tpu.memory_space<vmem>>
    %dma_wait3A_835 = tpu.memref_squeeze %dma_wait3A_834 : memref<1x128xi32, #tpu.memory_space<vmem>> -> memref<128xi32, #tpu.memory_space<vmem>>
    %dma_wait3A_836 = arith.constant 0 : i32
    %dma_wait3A_837 = tpu.memref_slice %arg2[%dma_wait3A_836] : memref<8388608xf32, #tpu.memory_space<hbm>> -> memref<8388608xf32, #tpu.memory_space<hbm>>
    tpu.wait_indirect_dma semaphore(%arg9 : memref<!tpu.dma_semaphore, #tpu.memory_space<semaphore_mem>>) src(%dma_wait3A_837 : memref<8388608xf32, #tpu.memory_space<hbm>>) dst(%dma_wait3A_832 : memref<128xf32, #tpu.memory_space<vmem>>)
    %dma_wait3A_838 = arith.constant 2 : i32
    %dma_wait3A_839 = arith.constant 2 : i32
    %dma_wait3A_840 = arith.constant 0 : i32
    %dma_wait3A_841 = tpu.memref_slice %arg7[%dma_wait3A_839, %dma_wait3A_840] : memref<4x128xf32, #tpu.memory_space<vmem>> -> memref<1x128xf32, #tpu.memory_space<vmem>>
    %dma_wait3A_842 = tpu.memref_squeeze %dma_wait3A_841 : memref<1x128xf32, #tpu.memory_space<vmem>> -> memref<128xf32, #tpu.memory_space<vmem>>
    %dma_wait3A_843 = arith.constant 0 : i32
    %dma_wait3A_844 = tpu.memref_slice %arg6[%dma_wait3A_838, %dma_wait3A_843] : memref<4x128xi32, #tpu.memory_space<vmem>> -> memref<1x128xi32, #tpu.memory_space<vmem>>
    %dma_wait3A_845 = tpu.memref_squeeze %dma_wait3A_844 : memref<1x128xi32, #tpu.memory_space<vmem>> -> memref<128xi32, #tpu.memory_space<vmem>>
    %dma_wait3A_846 = arith.constant 0 : i32
    %dma_wait3A_847 = tpu.memref_slice %arg2[%dma_wait3A_846] : memref<8388608xf32, #tpu.memory_space<hbm>> -> memref<8388608xf32, #tpu.memory_space<hbm>>
    tpu.wait_indirect_dma semaphore(%arg10 : memref<!tpu.dma_semaphore, #tpu.memory_space<semaphore_mem>>) src(%dma_wait3A_847 : memref<8388608xf32, #tpu.memory_space<hbm>>) dst(%dma_wait3A_842 : memref<128xf32, #tpu.memory_space<vmem>>)
    %dma_wait3A_848 = arith.constant 3 : i32
    %dma_wait3A_849 = arith.constant 3 : i32
    %dma_wait3A_850 = arith.constant 0 : i32
    %dma_wait3A_851 = tpu.memref_slice %arg7[%dma_wait3A_849, %dma_wait3A_850] : memref<4x128xf32, #tpu.memory_space<vmem>> -> memref<1x128xf32, #tpu.memory_space<vmem>>
    %dma_wait3A_852 = tpu.memref_squeeze %dma_wait3A_851 : memref<1x128xf32, #tpu.memory_space<vmem>> -> memref<128xf32, #tpu.memory_space<vmem>>
    %dma_wait3A_853 = arith.constant 0 : i32
    %dma_wait3A_854 = tpu.memref_slice %arg6[%dma_wait3A_848, %dma_wait3A_853] : memref<4x128xi32, #tpu.memory_space<vmem>> -> memref<1x128xi32, #tpu.memory_space<vmem>>
    %dma_wait3A_855 = tpu.memref_squeeze %dma_wait3A_854 : memref<1x128xi32, #tpu.memory_space<vmem>> -> memref<128xi32, #tpu.memory_space<vmem>>
    %dma_wait3A_856 = arith.constant 0 : i32
    %dma_wait3A_857 = tpu.memref_slice %arg2[%dma_wait3A_856] : memref<8388608xf32, #tpu.memory_space<hbm>> -> memref<8388608xf32, #tpu.memory_space<hbm>>
    tpu.wait_indirect_dma semaphore(%arg11 : memref<!tpu.dma_semaphore, #tpu.memory_space<semaphore_mem>>) src(%dma_wait3A_857 : memref<8388608xf32, #tpu.memory_space<hbm>>) dst(%dma_wait3A_852 : memref<128xf32, #tpu.memory_space<vmem>>)
    %dma_start3A_858 = arith.constant 0 : i32
    %dma_start3A_859 = arith.constant 0 : i32
    %dma_start3A_860 = tpu.memref_slice %arg4[%add3A, %dma_start3A_858, %dma_start3A_859] : memref<32x4x128xf32, #tpu.memory_space<hbm>> -> memref<1x4x128xf32, #tpu.memory_space<hbm>>
    %dma_start3A_861 = tpu.memref_squeeze %dma_start3A_860 : memref<1x4x128xf32, #tpu.memory_space<hbm>> -> memref<4x128xf32, #tpu.memory_space<hbm>>
    %dma_start3A_862 = arith.constant 0 : i32
    %dma_start3A_863 = arith.constant 0 : i32
    %dma_start3A_864 = tpu.memref_slice %arg4[%add3A, %dma_start3A_862, %dma_start3A_863] : memref<32x4x128xf32, #tpu.memory_space<hbm>> -> memref<1x4x128xf32, #tpu.memory_space<hbm>>
    %dma_start3A_865 = tpu.memref_squeeze %dma_start3A_864 : memref<1x4x128xf32, #tpu.memory_space<hbm>> -> memref<4x128xf32, #tpu.memory_space<hbm>>
    tpu.enqueue_dma source(%arg7 : memref<4x128xf32, #tpu.memory_space<vmem>>) target(%dma_start3A_865 : memref<4x128xf32, #tpu.memory_space<hbm>>) target_semaphore(%arg8 : memref<!tpu.dma_semaphore, #tpu.memory_space<semaphore_mem>>)
    %dma_start3A_866 = arith.constant 0 : i32
    %dma_start3A_867 = arith.constant 0 : i32
    %dma_start3A_868 = tpu.memref_slice %arg5[%add3A, %dma_start3A_866, %dma_start3A_867] : memref<32x4x128xf32, #tpu.memory_space<hbm>> -> memref<1x4x128xf32, #tpu.memory_space<hbm>>
    %dma_start3A_869 = tpu.memref_squeeze %dma_start3A_868 : memref<1x4x128xf32, #tpu.memory_space<hbm>> -> memref<4x128xf32, #tpu.memory_space<hbm>>
    %dma_start3A_870 = arith.constant 0 : i32
    %dma_start3A_871 = arith.constant 0 : i32
    %dma_start3A_872 = tpu.memref_slice %arg5[%add3A, %dma_start3A_870, %dma_start3A_871] : memref<32x4x128xf32, #tpu.memory_space<hbm>> -> memref<1x4x128xf32, #tpu.memory_space<hbm>>
    %dma_start3A_873 = tpu.memref_squeeze %dma_start3A_872 : memref<1x4x128xf32, #tpu.memory_space<hbm>> -> memref<4x128xf32, #tpu.memory_space<hbm>>
    tpu.enqueue_dma source(%arg7 : memref<4x128xf32, #tpu.memory_space<vmem>>) target(%dma_start3A_873 : memref<4x128xf32, #tpu.memory_space<hbm>>) target_semaphore(%arg9 : memref<!tpu.dma_semaphore, #tpu.memory_space<semaphore_mem>>)
    %dma_wait3A_874 = arith.constant 0 : i32
    %dma_wait3A_875 = arith.constant 0 : i32
    %dma_wait3A_876 = tpu.memref_slice %arg4[%add3A, %dma_wait3A_874, %dma_wait3A_875] : memref<32x4x128xf32, #tpu.memory_space<hbm>> -> memref<1x4x128xf32, #tpu.memory_space<hbm>>
    %dma_wait3A_877 = tpu.memref_squeeze %dma_wait3A_876 : memref<1x4x128xf32, #tpu.memory_space<hbm>> -> memref<4x128xf32, #tpu.memory_space<hbm>>
    %dma_wait3A_878 = arith.constant 0 : i32
    %dma_wait3A_879 = arith.constant 0 : i32
    %dma_wait3A_880 = tpu.memref_slice %arg4[%add3A, %dma_wait3A_878, %dma_wait3A_879] : memref<32x4x128xf32, #tpu.memory_space<hbm>> -> memref<1x4x128xf32, #tpu.memory_space<hbm>>
    %dma_wait3A_881 = tpu.memref_squeeze %dma_wait3A_880 : memref<1x4x128xf32, #tpu.memory_space<hbm>> -> memref<4x128xf32, #tpu.memory_space<hbm>>
    tpu.wait_dma2 semaphore(%arg8 : memref<!tpu.dma_semaphore, #tpu.memory_space<semaphore_mem>>) src(%arg7 : memref<4x128xf32, #tpu.memory_space<vmem>>) dst(%dma_wait3A_881 : memref<4x128xf32, #tpu.memory_space<hbm>>)
    %dma_wait3A_882 = arith.constant 0 : i32
    %dma_wait3A_883 = arith.constant 0 : i32
    %dma_wait3A_884 = tpu.memref_slice %arg5[%add3A, %dma_wait3A_882, %dma_wait3A_883] : memref<32x4x128xf32, #tpu.memory_space<hbm>> -> memref<1x4x128xf32, #tpu.memory_space<hbm>>
    %dma_wait3A_885 = tpu.memref_squeeze %dma_wait3A_884 : memref<1x4x128xf32, #tpu.memory_space<hbm>> -> memref<4x128xf32, #tpu.memory_space<hbm>>
    %dma_wait3A_886 = arith.constant 0 : i32
    %dma_wait3A_887 = arith.constant 0 : i32
    %dma_wait3A_888 = tpu.memref_slice %arg5[%add3A, %dma_wait3A_886, %dma_wait3A_887] : memref<32x4x128xf32, #tpu.memory_space<hbm>> -> memref<1x4x128xf32, #tpu.memory_space<hbm>>
    %dma_wait3A_889 = tpu.memref_squeeze %dma_wait3A_888 : memref<1x4x128xf32, #tpu.memory_space<hbm>> -> memref<4x128xf32, #tpu.memory_space<hbm>>
    tpu.wait_dma2 semaphore(%arg9 : memref<!tpu.dma_semaphore, #tpu.memory_space<semaphore_mem>>) src(%arg7 : memref<4x128xf32, #tpu.memory_space<vmem>>) dst(%dma_wait3A_889 : memref<4x128xf32, #tpu.memory_space<hbm>>)
    return
  }
}

</mosaic_0001>

<sc_bundles>
// kernel: kernel.3.cloned.1.call-start
scs
__scs_entry_jumppad:
0x0: {  	(pc) =	sbr.rel $0x88, $3  }
0x1: {  	(tag) =	ssettag $0x0;
	lr =	simm.s32 $0x1  }
0x2: {  	[smem:$0x3F9F] =	sst lr;
	_ =	strace $0xD0000000  }
0x3: {  	_ = 	snop  }
0x4: {  	_ = 	snop  }
0x5: {  	_ = 	snop  }
0x6: {  	_ = 	snop  }
0x7: {  	_ = 	snop  }
__scs_overlays_trampoline_lowered:
0x8: {  	[smem:$0x3FAE] =	sst s0  }
0x9: {  	[smem:$0x3FAF] =	sst s1  }
0xa: {  	[smem:$0x3FB0] =	sst s2  }
0xb: {  	[smem:$0x3FB1] =	sst s3  }
0xc: {  	[smem:$0x3FB2] =	sst s4  }
0xd: {  	[smem:$0x3FB3] =	sst s5  }
0xe: {  	[smem:$0x3FB4] =	sst s6  }
0xf: {  	[smem:$0x3FB5] =	sst s7  }
0x10: {  	[smem:$0x3FB6] =	sst s8  }
0x11: {  	[smem:$0x3FB7] =	sst s9;
	s0 =	simm.s32 @!p0 $0x0  }
0x12: {  	s1 =	sld [smem:$0x3F9D];
	s0 =	simm.s32 @p0 $0x1  }
0x13: {  	[smem:$0x3FB8] =	sst s0;
	s0 =	simm.s32 @!p1 $0x0  }
0x14: {  	s2 =	sld [smem:$0x3F9C];
	s0 =	simm.s32 @p1 $0x1  }
0x15: {  	[smem:$0x3FB9] =	sst s0;
	s0 =	simm.s32 @!p2 $0x0  }
0x16: {  	s3 =	sld [smem:$0x3FDB];
	s0 =	simm.s32 @p2 $0x1  }
0x17: {  	s4 =	simm.s32 $0x1BF5;
	[smem:$0x3FBB] =	sst s0  }
0x18: {  	s0 =	sld [smem:$0x3F9E];
	_ =	swait.ge [sflag:s4], $0x0  }
0x19: {  	s7 =	sld [smem:$0x3F9F]  }
0x1a: {  	s8 =	sadd.s32 $0xFFFFE003, lr  }
0x1b: {  	s9 =	sadd.s32 $0xFFFFFEF7, lr;
	s5 =	simm.s32 $0xFFFFFFFF;
	p2 =	slt.u32 s8, $0xFFFFF086  }
0x1c: {  	p1 =	slt.u32 s9, $0xF7A;
	s5 =	simm.s32 @!p2 $0x0  }
0x1d: {  	s5 =	simm.s32 @p1 $0x1;
	p0 =	seq.s32 s7, s2  }
0x1e: {  	s7 =	smul.u32 @!p0 $0xF7A, s2;
	p2 =	seq.s32 @!p0 s5, $0x0  }
0x1f: {  	s9 =	smul.u32 $0xF7A, s1;
	s8 =	simm.s32 @!p0 $0x1BF5;
	p2 =	por !p2, p0  }
0x20: {  	[sflag:s8] =	ssyncset.s32 @!p0 $0xFFFFF086;
	s6 =	sadd.s32 @!p0 s3, s7;
	s7 =	simm.s32 @!p0 $0x108  }
0x21: {  	s3 =	sadd.s32 s3, s9;
	s6 =	sadd.s32 @!p0 $0x88, s6;
	s7 =	simm.s32 @p2 $0x1082  }
0x22: {  	[simem:s7], [sflag:s8] =	dma.local @!p0 [hbm:s6], $0xF7A  }
0x23: {  	s9 =	sor.u32 $0xD0000000, s2;
	s6 =	simm.s32 $0x108;
	_ =	swait.ge @!p0 [sflag:s8], $0x0  }
0x24: {  	s3 =	sadd.s32 $0x88, s3;
	s6 =	simm.s32 @!p1 $0x1082;
	[sflag:s4] =	ssyncset.s32 $0xFFFFF086  }
0x25: {  	[simem:s6], [sflag:s4] =	dma.local [hbm:s3], $0xF7A  }
0x26: {  	[smem:$0x3F9F] =	sst s1;
	(tag) =	ssettag s2;
	_ =	strace s9  }
0x27: {  	s1 =	sld [smem:$0x3FAF]  }
0x28: {  	s2 =	sld [smem:$0x3FB0]  }
0x29: {  	s4 =	sld [smem:$0x3FB2]  }
0x2a: {  	p0 =	seq.s32 s5, $0x0;
	s5 =	sld [smem:$0x3FB3]  }
0x2b: {  	s6 =	sld [smem:$0x3FB4]  }
0x2c: {  	s7 =	sld [smem:$0x3FB5]  }
0x2d: {  	s3 =	simm.s32 $0x108;
	s8 =	sld [smem:$0x3FB6]  }
0x2e: {  	s3 =	simm.s32 @!p0 $0x1082;
	s9 =	sld [smem:$0x3FB7]  }
0x2f: {  	lr =	sadd.s32 s0, s3;
	s0 =	sld [smem:$0x3FAE]  }
0x30: {  	s3 =	sld [smem:$0x3FB1]  }
0x31: {  	[smem:$0x3FBA] =	sst s10  }
0x32: {  	s10 =	sld [smem:$0x3FB8];
	_ =	sdelay $0x3  }
0x33: {  	p0 =	seq.s32 s10, $0x1;
	s10 =	sld [smem:$0x3FBA];
	_ =	sdelay $0x3  }
0x34: {  	[smem:$0x3FBA] =	sst s10  }
0x35: {  	s10 =	sld [smem:$0x3FB9];
	_ =	sdelay $0x3  }
0x36: {  	p1 =	seq.s32 s10, $0x1;
	s10 =	sld [smem:$0x3FBA];
	_ =	sdelay $0x3  }
0x37: {  	[smem:$0x3FBA] =	sst s10  }
0x38: {  	s10 =	sld [smem:$0x3FBB]  }
0x39: {  	_ = 	snop;
	(pc) =	sbr.ind lr, $3  }
0x3a: {  	_ = 	snop  }
0x3b: {  	_ = 	snop  }
0x3c: {  	p2 =	seq.s32 s10, $0x1;
	s10 =	sld [smem:$0x3FBA]  }
0x3d: {  	_ =	shalt  }
0x3e: {  	_ =	shalt  }
0x3f: {  	_ =	shalt  }
0x40: {  	_ =	shalt  }
0x41: {  	_ =	shalt  }
0x42: {  	_ =	shalt  }
0x43: {  	_ =	shalt  }
0x44: {  	_ =	shalt  }
0x45: {  	_ =	shalt  }
0x46: {  	_ =	shalt  }
0x47: {  	_ =	shalt  }
0x48: {  	_ =	shalt  }
0x49: {  	_ =	shalt  }
0x4a: {  	_ =	shalt  }
0x4b: {  	_ =	shalt  }
0x4c: {  	_ =	shalt  }
0x4d: {  	_ =	shalt  }
0x4e: {  	_ =	shalt  }
0x4f: {  	_ =	shalt  }
0x50: {  	_ =	shalt  }
0x51: {  	_ =	shalt  }
0x52: {  	_ =	shalt  }
0x53: {  	_ =	shalt  }
0x54: {  	_ =	shalt  }
0x55: {  	_ =	shalt  }
0x56: {  	_ =	shalt  }
0x57: {  	_ =	shalt  }
0x58: {  	_ =	shalt  }
0x59: {  	_ =	shalt  }
0x5a: {  	_ =	shalt  }
0x5b: {  	_ =	shalt  }
0x5c: {  	_ =	shalt  }
0x5d: {  	_ =	shalt  }
0x5e: {  	_ =	shalt  }
0x5f: {  	_ =	shalt  }
0x60: {  	_ =	shalt  }
0x61: {  	_ =	shalt  }
0x62: {  	_ =	shalt  }
0x63: {  	_ =	shalt  }
0x64: {  	_ =	shalt  }
0x65: {  	_ =	shalt  }
0x66: {  	_ =	shalt  }
0x67: {  	_ =	shalt  }
0x68: {  	_ =	shalt  }
0x69: {  	_ =	shalt  }
0x6a: {  	_ =	shalt  }
0x6b: {  	_ =	shalt  }
0x6c: {  	_ =	shalt  }
0x6d: {  	_ =	shalt  }
0x6e: {  	_ =	shalt  }
0x6f: {  	_ =	shalt  }
0x70: {  	_ =	shalt  }
0x71: {  	_ =	shalt  }
0x72: {  	_ =	shalt  }
0x73: {  	_ =	shalt  }
0x74: {  	_ =	shalt  }
0x75: {  	_ =	shalt  }
0x76: {  	_ =	shalt  }
0x77: {  	_ =	shalt  }
0x78: {  	_ =	shalt  }
0x79: {  	_ =	shalt  }
0x7a: {  	_ =	shalt  }
0x7b: {  	_ =	shalt  }
0x7c: {  	_ =	shalt  }
0x7d: {  	_ =	shalt  }
0x7e: {  	_ =	shalt  }
0x7f: {  	_ =	shalt  }
0x80: {  	_ =	shalt  }
0x81: {  	_ =	shalt  }
0x82: {  	_ =	shalt  }
0x83: {  	_ =	shalt  }
0x84: {  	_ =	shalt  }
0x85: {  	_ =	shalt  }
0x86: {  	_ =	shalt  }
0x87: {  	_ =	shalt  }
.Lfunc_end0:
.L_simem_size_0:
called_computation_lowered:
.L_overlay_start_0:
0x88: {  	s2 =	sld [smem:$0x3FD9]  }
0x89: {  	s3 =	sld [smem:$0x3FFE];
	_ =	sdelay $0x1  }
0x8a: {  	s1 =	srdreg.scid  }
0x8b: {  	s0 =	sand.u32 $0x1, s1  }
0x8c: {  	s15 =	sshll.u32 s0, $0xA;
	s2 =	sadd.s32 s3, s2  }
0x8d: {  	s2 =	sadd.s32 s2, s15  }
0x8e: {  	[smem:$0x3FC6] =	sst s2  }
0x8f: {  	_ = 	snop  }
0x90: {  	s2 =	sld [smem:$0x3FD0];
	_ =	sdelay $0x1  }
0x91: {  	s16 =	sld [smem:$0x3FC9]  }
0x92: {  	s5 =	simm.s32 $0xA;
	s6 =	simm.s32 $0x10;
	s4 =	sld [smem:$0x3FC8]  }
0x93: {  	[smem:s6], [sflag:s5] =	dma.local [hbm:s2], $0x1  }
0x94: {  	_ =	swait.eq [sflag:s5], $0x1  }
0x95: {  	[sflag:s5] =	ssyncset.done $0x0  }
0x96: {  	s17 =	sld [smem:$0x10];
	[sflag:s5] =	ssyncadd.s32 $0xFFFFFFFF  }
0x97: {  	s18 =	sld [smem:$0x11];
	(tm) =	ssettm $0x1  }
0x98: {  	s19 =	sld [smem:$0x3FFB];
	_ =	sdelay $0x3  }
0x99: {  	_ =	strace s19  }
0x9a: {  	s6 =	sld [smem:$0x3FFC];
	_ =	sdelay $0x3  }
0x9b: {  	_ =	strace s6  }
0x9c: {  	s6 =	sld [smem:$0x3FFD];
	_ =	sdelay $0x3  }
0x9d: {  	_ =	strace s6  }
0x9e: {  	_ =	strace $0x8FFFFFFF  }
0x9f: {  	s20 =	sld [smem:$0x3FDB];
	_ =	sdelay $0x1  }
0xa0: {  	s7 =	simm.s32 $_scs_section_size  }
0xa1: {  	s8 =	simm.s32 $_size__tile_overlayer_lowered;
	s9 =	simm.s32 $_tile_overlayer_lowered  }
0xa2: {  	s23 =	simm.s32 $0x1BFF;
	s22 =	sshll.u32 s9, $0x1;
	s6 =	sadd.s32 s7, s20  }
0xa3: {  	s10 =	simm.s32 $0x0;
	s21 =	sshll.u32 s8, $0x1;
	s8 =	sadd.s32 s22, s6  }
0xa4: {  	[timem:s10], [sflag:s23] =	dma.local [hbm:s8], s21  }
0xa5: {  	_ =	swait.ge [sflag:s23], s21  }
0xa6: {  	s7 =	ssub.s32 $0x0, s21;
	[sflag:s23] =	ssyncset.done $0x0  }
0xa7: {  	[sflag:s23] =	ssyncadd.s32 s7;
	_ =	sdelay $0x1  }
0xa8: {  	s24 =	simm.s32 $0x1B8B  }
0xa9: {  	_ =	swait.ge [sflag:s24], $0x1  }
0xaa: {  	[sflag:s24] =	ssyncset.done $0x0  }
0xab: {  	s25 =	simm.s32 $0x1B8E;
	[sflag:s24] =	ssyncadd.s32 $0xFFFFFFFF  }
0xac: {  	s26 =	simm.s32 $execute0_lowered;
	[smem:$0x3FD2] =	sst s25  }
0xad: {  	s7 =	sshll.u32 s26, $0x1;
	_ =	strace $0x80000046;
	[dreg:$0x1] =	wrdreg $0xFFFFFFFF  }
0xae: {  	s28 =	simm.s32 $_size_execute0_lowered;
	s6 =	sadd.s32 s6, s7;
	[dreg:$0x0] =	wrdreg $0x0  }
0xaf: {  	s7 =	sshll.u32 s28, $0x1;
	[dreg:$0x2] =	wrdreg s6  }
0xb0: {  	[dreg:$0x3] =	wrdreg s7  }
0xb1: {  	[dreg:$0x4] =	wrdreg $0xC0  }
0xb2: {  	_ =	task [dreg:s10], $0x5FFFF  }
0xb3: {  	[dreg:$0x1] =	wrdreg $0xFFFFFFFF  }
0xb4: {  	[dreg:$0x0] =	wrdreg $0x60  }
0xb5: {  	[dreg:$0x2] =	wrdreg s16  }
0xb6: {  	[dreg:$0x3] =	wrdreg s4  }
0xb7: {  	[dreg:$0x4] =	wrdreg s17  }
0xb8: {  	[dreg:$0x5] =	wrdreg s18  }
0xb9: {  	[dreg:$0x6] =	wrdreg $0x9  }
0xba: {  	_ =	task.clear_ibuf [dreg:s10], $0x7FFFF;
	_ =	strace $0x90000046  }
0xbb: {  	s29 =	simm.s32 $0x9;
	_ =	strace $0x80000048  }
0xbc: {  	_ =	swait.ge [sflag:s29], $0x1  }
0xbd: {  	[sflag:s29] =	ssyncadd.s32 $0xFFFFFFFF  }
0xbe: {  	_ =	strace $0x90000048  }
0xbf: {  	_ =	sfence  }
0xc0: {  	s30 =	sld [smem:$0x0];
	_ =	sdelay $0x2  }
0xc1: {  	s31 =	sshll.u32 s1, $0xD;
	s1 =	sshrl.u32 s1, $0x2  }
0xc2: {  	s3 =	sand.u32 $0x4000, s31;
	s1 =	sadd.s32 s1, s30  }
0xc3: {  	s0 =	sor.u32 s3, s0;
	s1 =	sshll.u32 s1, $0x11  }
0xc4: {  	s0 =	sor.u32 s1, s0  }
0xc5: {  	s0 =	sadd.s32 $0x8F2B, s0  }
0xc6: {  	[sflag:s0] =	ssyncadd.remote.s32 $0x1  }
0xc7: {  	_ =	sfence.sel $0xFFFF  }
0xc8: {  	[dreg:$0x0] =	wrdreg $0xFFFFFFFF;
	(pc) =	sbr.abs _section_cstart, $3  }
0xc9: {  	[dreg:$0x1] =	wrdreg $0xFFFFFFFF  }
0xca: {  	_ =	task.clear_ibuf [dreg:s10], $0x2FFFF;
	_ =	strace $0x9FFFFFFF  }
0xcb: {  	(tm) =	ssettm $0x7FFFFFFF  }
tec
execute0_lowered:
.L_overlay_start_1:
0x0: {  	(tag) =	ssettag $0x1  }
0x1: {  	s2 =	rddreg [dreg:$0x0]  }
0x2: {  	s4 =	rddreg [dreg:$0x1]  }
0x3: {  	s9 =	rddreg [dreg:$0x2]  }
0x4: {  	s1 =	srdreg.scid;
	s0 =	stileid.u32  }
0x5: {  	s10 =	rddreg [dreg:$0x3];
	s12 =	sand.u32 $0x1, s1;
	s5 =	sshll.u32 s0, $0x1  }
0x6: {  	s3 =	simm.s32 $0x0;
	s1 =	rddreg [dreg:$0x4];
	s6 =	sor.u32 s12, s5  }
0x7: {  	v0 =	vimm.s32 $0x1380;
	vm0 =	vcmask $0x300;
	[smem:$0x7FF] =	sst s3;
	s11 =	sshll.u32 s6, $0x6  }
0x8: {  	vm14 =	vcmask $0x704;
	v0 =	vsel vm0, $0x0, v0;
	_ =	strace $0x80000047;
	s5 =	simm.s32 $0x5;
	s4 =	sadd.s32 s4, s11  }
0x9: {  	vm15 =	vcmask $0xB08;
	v0 =	vsel vm14, $0x80, v0;
	[tilespmem:s3], [sflag:$0x5] =	stream.linear.gather [hbm4b:s4+s3], $0x200, $0x38;
	[tilespmem:$0x400] =	vst v63  }
0xa: {  	vm4 =	vcmask $0xF0C;
	v0 =	vsel vm15, $0x100, v0;
	_ =	swait.ge [sflag:s5], $0x200  }
0xb: {  	vm5 =	vcmask $0x1310;
	v0 =	vsel vm4, $0x180, v0;
	[sflag:s5] =	ssyncset.done $0x0  }
0xc: {  	vm6 =	vcmask $0x1714;
	v0 =	vsel vm5, $0x200, v0;
	[sflag:s5] =	ssyncadd.s32 $0xFFFFFE00  }
0xd: {  	vm7 =	vcmask $0x1B18;
	v0 =	vsel vm6, $0x280, v0;
	v8 =	vld [tilespmem:$0x60]  }
0xe: {  	vm8 =	vcmask $0x1F1C;
	v0 =	vsel vm7, $0x300, v0;
	v9 =	vld [tilespmem:$0x30]  }
0xf: {  	vm9 =	vcmask $0x2320;
	v0 =	vsel vm8, $0x380, v0;
	v10 =	vld [tilespmem:$0x0]  }
0x10: {  	vm10 =	vcmask $0x2724;
	v0 =	vsel vm9, $0x1000, v0;
	v11 =	vld [tilespmem:$0x10]  }
0x11: {  	vm11 =	vcmask $0x2B28;
	v12 =	vld [tilespmem:$0x40];
	v0 =	vsel vm10, $0x1080, v0  }
0x12: {  	vm12 =	vcmask $0x2F2C;
	v0 =	vsel vm11, $0x1100, v0  }
0x13: {  	vm13 =	vcmask $0x3330;
	v0 =	vsel vm12, $0x1180, v0  }
0x14: {  	vm14 =	vcmask $0x3734;
	vm15 =	vcmask $0x3B38;
	v0 =	vsel vm13, $0x1200, v0  }
0x15: {  	v0 =	vsel vm14, $0x1280, v0;
	v13 =	vshrl.u32 v8, $0x7;
	v15 =	vshrl.u32 v10, $0x7  }
0x16: {  	s13 =	sshll.u32 s6, $0x12;
	v16 =	vshrl.u32 v9, $0x7;
	v18 =	vshrl.u32 v12, $0x7;
	v19 =	vshrl.u32 v11, $0x7  }
0x17: {  	s6 =	sor.u32 $0x2000, s13;
	s7 =	sor.u32 $0x4000, s13;
	v14 =	vld [tilespmem:$0x20];
	v27 =	vsel vm15, $0x1300, v0;
	v13 =	vmul.u32 $0x380, v13;
	v18 =	vmul.u32 $0x380, v18  }
0x18: {  	s8 =	sor.u32 $0x6000, s13;
	s25 =	sor.u32 $0x8000, s13;
	s28 =	sor.u32 $0xC000, s13;
	v0 =	vor.u32 s13, v27;
	v1 =	vor.u32 s6, v27;
	v2 =	vor.u32 s7, v27  }
0x19: {  	s26 =	sor.u32 $0xA000, s13;
	s29 =	sor.u32 $0xE000, s13;
	v17 =	vld [tilespmem:$0x50];
	v3 =	vor.u32 s8, v27;
	v4 =	vor.u32 s25, v27;
	v6 =	vor.u32 s28, v27  }
0x1a: {  	v5 =	vor.u32 s26, v27;
	v7 =	vor.u32 s29, v27;
	v8 =	vadd.s32 v8, v6  }
0x1b: {  	v8 =	vadd.s32 v13, v8;
	v13 =	vmul.u32 $0x380, v15;
	v15 =	vmul.u32 $0x380, v16;
	v16 =	vld [tilespmem:$0x70]  }
0x1c: {  	v9 =	vadd.s32 v9, v3;
	v10 =	vadd.s32 v10, v0;
	[tilespmem:$0x60] =	vst v8;
	v8 =	vadd.s32 v14, v2  }
0x1d: {  	v9 =	vadd.s32 v15, v9;
	v15 =	vmul.u32 $0x380, v19;
	v19 =	vshrl.u32 v14, $0x7  }
0x1e: {  	v14 =	vshrl.u32 v17, $0x7;
	v10 =	vadd.s32 v13, v10;
	[tilespmem:$0x30] =	vst v9;
	v9 =	vadd.s32 v11, v1  }
0x1f: {  	v11 =	vadd.s32 v12, v4;
	v12 =	vmul.u32 $0x380, v19;
	[tilespmem:$0x0] =	vst v10;
	v9 =	vadd.s32 v15, v9  }
0x20: {  	v10 =	vmul.u32 $0x380, v14;
	v11 =	vadd.s32 v18, v11;
	[tilespmem:$0x10] =	vst v9;
	v9 =	vshrl.u32 v16, $0x7  }
0x21: {  	v8 =	vadd.s32 v12, v8;
	v12 =	vadd.s32 v17, v5;
	[tilespmem:$0x40] =	vst v11;
	v9 =	vmul.u32 $0x380, v9  }
0x22: {  	[tilespmem:$0x20] =	vst v8;
	v8 =	vadd.s32 v16, v7;
	v10 =	vadd.s32 v10, v12  }
0x23: {  	[tilespmem:$0x50] =	vst v10;
	v8 =	vadd.s32 v9, v8  }
0x24: {  	s7 =	simm.s32 $0x80;
	s6 =	simm.s32 $0x200;
	[tilespmem:$0x70] =	vst v8  }
0x25: {  	[tilespmem:s6], [sflag:$0x1] =	stream.indirect.gather [hbm4b:s2+s7], $0x1, s3, s7, $0xb8;
	[tilespmem:$0x400] =	vst v63  }
0x26: {  	v16 =	vld [tilespmem:$0xE0]  }
0x27: {  	v17 =	vld [tilespmem:$0x90]  }
0x28: {  	v18 =	vld [tilespmem:$0xF0]  }
0x29: {  	s16 =	sor.u32 $0x1C000, s13;
	v19 =	vld [tilespmem:$0xC0]  }
0x2a: {  	s14 =	sor.u32 $0x14000, s13;
	s15 =	sor.u32 $0x16000, s13;
	s17 =	sor.u32 $0x1E000, s13;
	v14 =	vor.u32 s16, v27;
	v20 =	vld [tilespmem:$0xD0]  }
0x2b: {  	s31 =	sor.u32 $0x12000, s13;
	v15 =	vor.u32 s17, v27;
	v11 =	vor.u32 s15, v27;
	s15 =	sor.u32 $0x1A000, s13;
	v10 =	vor.u32 s14, v27;
	s14 =	sor.u32 $0x18000, s13  }
0x2c: {  	s30 =	sor.u32 $0x10000, s13;
	v13 =	vor.u32 s15, v27;
	v9 =	vor.u32 s31, v27;
	v12 =	vor.u32 s14, v27  }
0x2d: {  	v8 =	vor.u32 s30, v27;
	v21 =	vld [tilespmem:$0x80];
	v22 =	vshrl.u32 v16, $0x7;
	v23 =	vshrl.u32 v17, $0x7  }
0x2e: {  	v24 =	vshrl.u32 v18, $0x7;
	v18 =	vadd.s32 v18, v15;
	v17 =	vadd.s32 v17, v9  }
0x2f: {  	v25 =	vld [tilespmem:$0xB0];
	v26 =	vshrl.u32 v19, $0x7;
	v29 =	vshrl.u32 v20, $0x7;
	v23 =	vmul.u32 $0x380, v23  }
0x30: {  	v28 =	vld [tilespmem:$0xA0];
	v19 =	vadd.s32 v19, v12;
	v16 =	vadd.s32 v16, v14;
	v26 =	vmul.u32 $0x380, v26  }
0x31: {  	v20 =	vadd.s32 v20, v13;
	v22 =	vmul.u32 $0x380, v22;
	v17 =	vadd.s32 v23, v17  }
0x32: {  	v24 =	vmul.u32 $0x380, v24;
	v23 =	vshrl.u32 v21, $0x7;
	v19 =	vadd.s32 v26, v19;
	[tilespmem:$0x90] =	vst v17  }
0x33: {  	v16 =	vadd.s32 v22, v16;
	v21 =	vadd.s32 v21, v8;
	v17 =	vmul.u32 $0x380, v23;
	[tilespmem:$0xC0] =	vst v19  }
0x34: {  	v18 =	vadd.s32 v24, v18;
	v23 =	vmul.u32 $0x380, v29;
	v19 =	vshrl.u32 v25, $0x7;
	[tilespmem:$0xE0] =	vst v16  }
0x35: {  	v16 =	vshrl.u32 v28, $0x7;
	[tilespmem:$0xF0] =	vst v18;
	v19 =	vmul.u32 $0x380, v19;
	v17 =	vadd.s32 v17, v21  }
0x36: {  	v16 =	vmul.u32 $0x380, v16;
	[tilespmem:$0x80] =	vst v17;
	v17 =	vadd.s32 v23, v20;
	v20 =	vadd.s32 v25, v11  }
0x37: {  	[tilespmem:$0xD0] =	vst v17;
	v17 =	vadd.s32 v28, v10;
	v19 =	vadd.s32 v19, v20  }
0x38: {  	v16 =	vadd.s32 v16, v17;
	[tilespmem:$0xB0] =	vst v19  }
0x39: {  	s8 =	simm.s32 $0x280;
	[tilespmem:$0xA0] =	vst v16  }
0x3a: {  	[tilespmem:s8], [sflag:$0x2] =	stream.indirect.gather [hbm4b:s2+s7], $0x1, s7, s7, $0xb8;
	[tilespmem:$0x400] =	vst v63  }
0x3b: {  	v26 =	vld [tilespmem:$0x100]  }
0x3c: {  	v28 =	vld [tilespmem:$0x160]  }
0x3d: {  	s19 =	sor.u32 $0x22000, s13;
	s21 =	sor.u32 $0x28000, s13;
	s23 =	sor.u32 $0x2C000, s13;
	v29 =	vld [tilespmem:$0x120]  }
0x3e: {  	s20 =	sor.u32 $0x26000, s13;
	s22 =	sor.u32 $0x2A000, s13;
	s24 =	sor.u32 $0x2E000, s13;
	v22 =	vor.u32 s21, v27;
	v24 =	vor.u32 s23, v27;
	v18 =	vor.u32 s19, v27;
	v30 =	vld [tilespmem:$0x140]  }
0x3f: {  	s18 =	sor.u32 $0x20000, s13;
	s25 =	sor.u32 $0x30000, s13;
	s16 =	sor.u32 $0x24000, s13;
	v21 =	vor.u32 s20, v27;
	v23 =	vor.u32 s22, v27;
	v25 =	vor.u32 s24, v27;
	v31 =	vld [tilespmem:$0x170]  }
0x40: {  	s26 =	sor.u32 $0x32000, s13;
	v20 =	vor.u32 s25, v27;
	v17 =	vor.u32 s18, v27;
	v19 =	vor.u32 s16, v27;
	v34 =	vld [tilespmem:$0x150]  }
0x41: {  	v16 =	vor.u32 s26, v27;
	v32 =	vshrl.u32 v26, $0x7;
	v26 =	vadd.s32 v26, v17  }
0x42: {  	v33 =	vld [tilespmem:$0x110];
	v35 =	vshrl.u32 v28, $0x7;
	v36 =	vshrl.u32 v29, $0x7;
	v29 =	vadd.s32 v29, v19  }
0x43: {  	v28 =	vadd.s32 v28, v24;
	v57 =	vshrl.u32 v30, $0x7;
	v32 =	vmul.u32 $0x380, v32  }
0x44: {  	s12 =	ssub.s32 $0x2, s12;
	v37 =	vld [tilespmem:$0x130];
	v58 =	vshrl.u32 v31, $0x7;
	v30 =	vadd.s32 v30, v22;
	v35 =	vmul.u32 $0x380, v35  }
0x45: {  	s28 =	sshrl.u32 s12, $0x1;
	v60 =	vshrl.u32 v34, $0x7;
	v36 =	vmul.u32 $0x380, v36;
	v26 =	vadd.s32 v32, v26  }
0x46: {  	s12 =	ssub.s32 s12, s28;
	v59 =	vmul.u32 $0x380, v58;
	v28 =	vadd.s32 v35, v28;
	[tilespmem:$0x100] =	vst v26;
	v26 =	vmul.u32 $0x380, v57  }
0x47: {  	s9 =	sadd.s32 s9, s11;
	s22 =	smax.u32 s12, $0x1;
	v29 =	vadd.s32 v36, v29;
	[tilespmem:$0x160] =	vst v28;
	v28 =	vadd.s32 v31, v25;
	v31 =	vshrl.u32 v33, $0x7  }
0x48: {  	s10 =	sadd.s32 s10, s11;
	s11 =	simm.s32 $0x2;
	p0 =	sne.s32 s22, $0x1;
	[tilespmem:$0x120] =	vst v29;
	v29 =	vmul.u32 $0x380, v60;
	v26 =	vadd.s32 v26, v30;
	v30 =	vadd.s32 v34, v23  }
.Ltmp0:
0x49: {  	s29 =	sor.u32 $0x34000, s13;
	s17 =	simm.s32 $0x100;
	[tilespmem:$0x140] =	vst v26;
	v26 =	vadd.s32 v59, v28;
	v28 =	vmul.u32 $0x380, v31;
	v31 =	vshrl.u32 v37, $0x7;
	(pc) =	sbr.rel @!p0 .LBB2_2-.Ltmp0, $4  }
0x4a: {  	s15 =	simm.s32 $0x4;
	s31 =	sor.u32 $0x38000, s13;
	s30 =	sor.u32 $0x36000, s13;
	v61 =	vadd.s32 v33, v18;
	v29 =	vadd.s32 v29, v30;
	[tilespmem:$0x170] =	vst v26;
	v31 =	vmul.u32 $0x380, v31  }
0x4b: {  	s14 =	simm.s32 $0x380;
	s21 =	sor.u32 $0x3E000, s13;
	s20 =	sor.u32 $0x3C000, s13;
	v62 =	vadd.s32 v37, v21;
	v30 =	vor.u32 s30, v27;
	[tilespmem:$0x150] =	vst v29;
	v32 =	vadd.s32 v28, v61  }
0x4c: {  	s19 =	sor.u32 $0x3A000, s13;
	s13 =	simm.s32 $0x180;
	s12 =	simm.s32 $0x1;
	v26 =	vor.u32 s29, v27;
	v29 =	vor.u32 s20, v27;
	[tilespmem:$0x110] =	vst v32;
	v63 =	vadd.s32 v31, v62  }
0x4d: {  	s18 =	simm.s32 $0x300;
	s16 =	simm.s32 $0x3;
	v28 =	vor.u32 s31, v27;
	v31 =	vor.u32 s19, v27;
	v27 =	vor.u32 s21, v27;
	s19 =	sadd.s32 $0xFFFFFFFF, s22;
	[tilespmem:$0x130] =	vst v63  }
.LBB2_1:
0x4e: {  	[tilespmem:s18], [sflag:$0x3] =	stream.indirect.gather [hbm4b:s2+s7], $0x1, s17, s7, $0xb8;
	[tilespmem:$0x400] =	vst v63  }
0x4f: {  	p0 =	sne.s32 s19, $0x1;
	s19 =	sadd.s32 $0xFFFFFFFF, s19;
	v32 =	vld [tilespmem:$0x1D0]  }
0x50: {  	v33 =	vld [tilespmem:$0x180]  }
0x51: {  	v34 =	vld [tilespmem:$0x190]  }
0x52: {  	v35 =	vld [tilespmem:$0x1B0]  }
0x53: {  	v36 =	vld [tilespmem:$0x1A0]  }
0x54: {  	v37 =	vld [tilespmem:$0x1C0]  }
0x55: {  	v39 =	vshrl.u32 v32, $0x7;
	v38 =	vshrl.u32 v33, $0x7;
	v40 =	vld [tilespmem:$0x1E0]  }
0x56: {  	v32 =	vadd.s32 v32, v31;
	v38 =	vmul.u32 $0x380, v38;
	v41 =	vld [tilespmem:$0x1F0]  }
0x57: {  	v33 =	vadd.s32 v33, v20;
	v39 =	vmul.u32 $0x380, v39;
	v42 =	vshrl.u32 v35, $0x7  }
0x58: {  	v33 =	vadd.s32 v38, v33;
	v38 =	vshrl.u32 v34, $0x7;
	v43 =	vshrl.u32 v36, $0x7  }
0x59: {  	v34 =	vadd.s32 v34, v16;
	[tilespmem:$0x180] =	vst v33;
	v33 =	vmul.u32 $0x380, v38;
	v38 =	vmul.u32 $0x380, v42  }
0x5a: {  	v35 =	vadd.s32 v35, v30;
	v32 =	vadd.s32 v39, v32;
	v42 =	vshrl.u32 v37, $0x7  }
0x5b: {  	v39 =	vmul.u32 $0x380, v42;
	v33 =	vadd.s32 v33, v34;
	v34 =	vmul.u32 $0x380, v43  }
0x5c: {  	v36 =	vadd.s32 v36, v26;
	v37 =	vadd.s32 v37, v28;
	v35 =	vadd.s32 v38, v35;
	[tilespmem:$0x1D0] =	vst v32  }
0x5d: {  	[tilespmem:$0x190] =	vst v33;
	v32 =	vadd.s32 v34, v36;
	v33 =	vadd.s32 v39, v37;
	v34 =	vshrl.u32 v40, $0x7  }
0x5e: {  	[tilespmem:$0x1A0] =	vst v32;
	v32 =	vmul.u32 $0x380, v34;
	v34 =	vshrl.u32 v41, $0x7  }
0x5f: {  	[tilespmem:$0x1B0] =	vst v35;
	v35 =	vadd.s32 v40, v29;
	v34 =	vmul.u32 $0x380, v34  }
0x60: {  	[tilespmem:$0x1C0] =	vst v33;
	v32 =	vadd.s32 v32, v35;
	v33 =	vadd.s32 v41, v27  }
0x61: {  	[tilespmem:$0x1E0] =	vst v32;
	v32 =	vadd.s32 v34, v33  }
0x62: {  	[tilespmem:$0x1F0] =	vst v32  }
0x63: {  	[tilespmem:s14], [sflag:$0x4] =	stream.indirect.gather [hbm4b:s2+s7], $0x1, s13, s7, $0xb8;
	[tilespmem:$0x400] =	vst v63  }
0x64: {  	_ =	swait.ge [sflag:s12], $0x80  }
0x65: {  	[sflag:s12] =	ssyncset.done $0x0  }
0x66: {  	[sflag:s12] =	ssyncadd.s32 $0xFFFFFF80  }
0x67: {  	_ =	swait.ge [sflag:s11], $0x80  }
0x68: {  	[sflag:s11] =	ssyncset.done $0x0  }
0x69: {  	[sflag:s11] =	ssyncadd.s32 $0xFFFFFF80  }
0x6a: {  	_ =	swait.ge [sflag:s16], $0x80  }
0x6b: {  	[sflag:s16] =	ssyncset.done $0x0  }
0x6c: {  	[sflag:s16] =	ssyncadd.s32 $0xFFFFFF80  }
0x6d: {  	_ =	swait.ge [sflag:s15], $0x80  }
0x6e: {  	[sflag:s15] =	ssyncset.done $0x0  }
0x6f: {  	[sflag:s15] =	ssyncadd.s32 $0xFFFFFF80  }
0x70: {  	[hbm4b:s9+s3] =	stream.linear.scatter [tilespmem:s6], [sflag:$0x1], $0x200, $0x38;
	[tilespmem:$0x400] =	vst v63  }
0x71: {  	_ = 	snop  }
0x72: {  	[hbm4b:s10+s3] =	stream.linear.scatter [tilespmem:s6], [sflag:$0x2], $0x200, $0x38;
	[tilespmem:$0x400] =	vst v63  }
0x73: {  	_ =	swait.ge [sflag:s12], $0x200  }
0x74: {  	[sflag:s12] =	ssyncset.done $0x0  }
0x75: {  	[sflag:s12] =	ssyncadd.s32 $0xFFFFFE00  }
0x76: {  	_ =	swait.ge [sflag:s11], $0x200  }
0x77: {  	[sflag:s11] =	ssyncset.done $0x0  }
0x78: {  	[sflag:s11] =	ssyncadd.s32 $0xFFFFFE00  }
0x79: {  	[tilespmem:s3], [sflag:$0x5] =	stream.linear.gather [hbm4b:s4+s3], $0x200, $0x38;
	[tilespmem:$0x400] =	vst v63  }
0x7a: {  	_ =	swait.ge [sflag:s5], $0x200  }
0x7b: {  	[sflag:s5] =	ssyncset.done $0x0  }
0x7c: {  	[sflag:s5] =	ssyncadd.s32 $0xFFFFFE00  }
0x7d: {  	v32 =	vld [tilespmem:$0x60]  }
0x7e: {  	v33 =	vld [tilespmem:$0x30]  }
0x7f: {  	v34 =	vld [tilespmem:$0x10]  }
0x80: {  	v35 =	vld [tilespmem:$0x0]  }
0x81: {  	v36 =	vld [tilespmem:$0x40]  }
0x82: {  	v37 =	vld [tilespmem:$0x20];
	v38 =	vshrl.u32 v32, $0x7  }
0x83: {  	v39 =	vld [tilespmem:$0x50];
	v38 =	vmul.u32 $0x380, v38  }
0x84: {  	v32 =	vadd.s32 v32, v6;
	v40 =	vld [tilespmem:$0x70]  }
0x85: {  	v42 =	vshrl.u32 v33, $0x7;
	v41 =	vshrl.u32 v35, $0x7;
	v32 =	vadd.s32 v38, v32  }
0x86: {  	v38 =	vmul.u32 $0x380, v41;
	v41 =	vmul.u32 $0x380, v42;
	v42 =	vshrl.u32 v36, $0x7  }
0x87: {  	v33 =	vadd.s32 v33, v3;
	v43 =	vshrl.u32 v34, $0x7;
	v42 =	vmul.u32 $0x380, v42  }
0x88: {  	v35 =	vadd.s32 v35, v0;
	v36 =	vadd.s32 v36, v4;
	v33 =	vadd.s32 v41, v33  }
0x89: {  	v41 =	vmul.u32 $0x380, v43;
	v43 =	vshrl.u32 v37, $0x7;
	[tilespmem:$0x30] =	vst v33;
	v33 =	vshrl.u32 v40, $0x7  }
0x8a: {  	v34 =	vadd.s32 v34, v1;
	v43 =	vmul.u32 $0x380, v43;
	v36 =	vadd.s32 v42, v36  }
0x8b: {  	v37 =	vadd.s32 v37, v2;
	v34 =	vadd.s32 v41, v34;
	v41 =	vshrl.u32 v39, $0x7;
	[tilespmem:$0x60] =	vst v32  }
0x8c: {  	v32 =	vadd.s32 v38, v35;
	v35 =	vadd.s32 v39, v5;
	[tilespmem:$0x10] =	vst v34;
	v34 =	vadd.s32 v43, v37  }
0x8d: {  	v33 =	vmul.u32 $0x380, v33;
	[tilespmem:$0x0] =	vst v32;
	v32 =	vmul.u32 $0x380, v41  }
0x8e: {  	[tilespmem:$0x20] =	vst v34;
	v34 =	vadd.s32 v40, v7  }
0x8f: {  	[tilespmem:$0x40] =	vst v36;
	v32 =	vadd.s32 v32, v35;
	v33 =	vadd.s32 v33, v34  }
0x90: {  	[tilespmem:$0x50] =	vst v32  }
0x91: {  	[tilespmem:$0x70] =	vst v33  }
0x92: {  	[tilespmem:s6], [sflag:$0x1] =	stream.indirect.gather [hbm4b:s2+s7], $0x1, s3, s7, $0xb8;
	[tilespmem:$0x400] =	vst v63  }
0x93: {  	v32 =	vld [tilespmem:$0xE0]  }
0x94: {  	v33 =	vld [tilespmem:$0x90]  }
0x95: {  	v34 =	vld [tilespmem:$0xF0]  }
0x96: {  	v35 =	vld [tilespmem:$0xD0]  }
0x97: {  	v36 =	vld [tilespmem:$0xC0]  }
0x98: {  	v37 =	vld [tilespmem:$0xB0];
	v38 =	vshrl.u32 v32, $0x7  }
0x99: {  	v39 =	vld [tilespmem:$0x80];
	v40 =	vshrl.u32 v33, $0x7;
	v38 =	vmul.u32 $0x380, v38  }
0x9a: {  	v40 =	vmul.u32 $0x380, v40;
	v41 =	vld [tilespmem:$0xA0];
	v42 =	vshrl.u32 v34, $0x7;
	v34 =	vadd.s32 v34, v15  }
0x9b: {  	v33 =	vadd.s32 v33, v9;
	v43 =	vshrl.u32 v35, $0x7;
	v42 =	vmul.u32 $0x380, v42  }
0x9c: {  	v33 =	vadd.s32 v40, v33;
	v40 =	vshrl.u32 v36, $0x7;
	v43 =	vmul.u32 $0x380, v43  }
0x9d: {  	v35 =	vadd.s32 v35, v13;
	[tilespmem:$0x90] =	vst v33;
	v33 =	vshrl.u32 v37, $0x7;
	v40 =	vmul.u32 $0x380, v40  }
0x9e: {  	v32 =	vadd.s32 v32, v14;
	v36 =	vadd.s32 v36, v12;
	v44 =	vshrl.u32 v39, $0x7  }
0x9f: {  	v32 =	vadd.s32 v38, v32;
	v44 =	vmul.u32 $0x380, v44;
	v36 =	vadd.s32 v40, v36  }
0xa0: {  	v38 =	vadd.s32 v39, v8;
	v39 =	vshrl.u32 v41, $0x7;
	v40 =	vadd.s32 v41, v10;
	[tilespmem:$0xC0] =	vst v36  }
0xa1: {  	v33 =	vmul.u32 $0x380, v33;
	v36 =	vadd.s32 v44, v38;
	v38 =	vmul.u32 $0x380, v39;
	[tilespmem:$0xE0] =	vst v32  }
0xa2: {  	v34 =	vadd.s32 v42, v34;
	v35 =	vadd.s32 v43, v35;
	v32 =	vadd.s32 v37, v11;
	[tilespmem:$0x80] =	vst v36  }
0xa3: {  	v32 =	vadd.s32 v33, v32;
	v36 =	vadd.s32 v38, v40;
	[tilespmem:$0xD0] =	vst v35  }
0xa4: {  	[tilespmem:$0xF0] =	vst v34  }
0xa5: {  	[tilespmem:$0xB0] =	vst v32  }
0xa6: {  	[tilespmem:$0xA0] =	vst v36  }
0xa7: {  	[tilespmem:s8], [sflag:$0x2] =	stream.indirect.gather [hbm4b:s2+s7], $0x1, s7, s7, $0xb8;
	[tilespmem:$0x400] =	vst v63  }
0xa8: {  	v32 =	vld [tilespmem:$0x100]  }
0xa9: {  	v33 =	vld [tilespmem:$0x160]  }
0xaa: {  	v34 =	vld [tilespmem:$0x120]  }
0xab: {  	v35 =	vld [tilespmem:$0x170]  }
0xac: {  	v36 =	vld [tilespmem:$0x140]  }
0xad: {  	v37 =	vshrl.u32 v32, $0x7;
	v38 =	vld [tilespmem:$0x110]  }
0xae: {  	v32 =	vadd.s32 v32, v17;
	v37 =	vmul.u32 $0x380, v37;
	v39 =	vld [tilespmem:$0x150];
	v40 =	vshrl.u32 v33, $0x7  }
0xaf: {  	v41 =	vshrl.u32 v34, $0x7;
	v34 =	vadd.s32 v34, v19;
	v42 =	vld [tilespmem:$0x130];
	v40 =	vmul.u32 $0x380, v40  }
0xb0: {  	v33 =	vadd.s32 v33, v24;
	v32 =	vadd.s32 v37, v32;
	v37 =	vmul.u32 $0x380, v41  }
0xb1: {  	[tilespmem:$0x100] =	vst v32;
	v32 =	vshrl.u32 v36, $0x7;
	v33 =	vadd.s32 v40, v33  }
0xb2: {  	v34 =	vadd.s32 v37, v34;
	v32 =	vmul.u32 $0x380, v32;
	[tilespmem:$0x160] =	vst v33;
	v33 =	vshrl.u32 v35, $0x7  }
0xb3: {  	v35 =	vadd.s32 v35, v25;
	[tilespmem:$0x120] =	vst v34;
	v34 =	vadd.s32 v36, v22;
	v33 =	vmul.u32 $0x380, v33  }
0xb4: {  	v36 =	vshrl.u32 v38, $0x7;
	v32 =	vadd.s32 v32, v34;
	v34 =	vshrl.u32 v39, $0x7  }
0xb5: {  	[tilespmem:$0x140] =	vst v32;
	v32 =	vmul.u32 $0x380, v34;
	v34 =	vadd.s32 v39, v23;
	v33 =	vadd.s32 v33, v35  }
.Ltmp1:
0xb6: {  	v35 =	vmul.u32 $0x380, v36;
	v36 =	vshrl.u32 v42, $0x7;
	[tilespmem:$0x170] =	vst v33;
	(pc) =	sbr.rel @p0 .LBB2_1-.Ltmp1, $4  }
0xb7: {  	v33 =	vadd.s32 v38, v18;
	v36 =	vmul.u32 $0x380, v36;
	v32 =	vadd.s32 v32, v34  }
0xb8: {  	v33 =	vadd.s32 v35, v33;
	v34 =	vadd.s32 v42, v21;
	[tilespmem:$0x150] =	vst v32  }
0xb9: {  	v32 =	vadd.s32 v36, v34;
	[tilespmem:$0x110] =	vst v33  }
0xba: {  	[tilespmem:$0x130] =	vst v32  }
.LBB2_2:
0xbb: {  	[tilespmem:s18], [sflag:$0x3] =	stream.indirect.gather [hbm4b:s2+s7], $0x1, s17, s7, $0xb8;
	[tilespmem:$0x400] =	vst v63  }
0xbc: {  	v0 =	vld [tilespmem:$0x1D0]  }
0xbd: {  	v1 =	vld [tilespmem:$0x180]  }
0xbe: {  	v2 =	vld [tilespmem:$0x190]  }
0xbf: {  	v3 =	vld [tilespmem:$0x1B0]  }
0xc0: {  	v4 =	vld [tilespmem:$0x1A0];
	_ =	sdelay $0x1  }
0xc1: {  	v5 =	vld [tilespmem:$0x1C0]  }
0xc2: {  	v8 =	vld [tilespmem:$0x1E0];
	v6 =	vshrl.u32 v1, $0x7;
	v7 =	vshrl.u32 v0, $0x7  }
0xc3: {  	v11 =	vld [tilespmem:$0x1F0];
	v0 =	vadd.s32 v0, v31;
	v1 =	vadd.s32 v1, v20;
	v9 =	vshrl.u32 v3, $0x7  }
0xc4: {  	v10 =	vshrl.u32 v2, $0x7;
	v53 =	vshrl.u32 v4, $0x7;
	v6 =	vmul.u32 $0x380, v6  }
0xc5: {  	v2 =	vadd.s32 v2, v16;
	v3 =	vadd.s32 v3, v30;
	v7 =	vmul.u32 $0x380, v7  }
0xc6: {  	v54 =	vshrl.u32 v5, $0x7;
	v10 =	vmul.u32 $0x380, v10;
	v1 =	vadd.s32 v6, v1  }
0xc7: {  	v57 =	vshrl.u32 v8, $0x7;
	v9 =	vmul.u32 $0x380, v9;
	v0 =	vadd.s32 v7, v0;
	[tilespmem:$0x180] =	vst v1  }
0xc8: {  	v60 =	vshrl.u32 v11, $0x7;
	v59 =	vmul.u32 $0x380, v57;
	v2 =	vadd.s32 v10, v2;
	[tilespmem:$0x1D0] =	vst v0  }
0xc9: {  	v61 =	vadd.s32 v8, v29;
	v6 =	vmul.u32 $0x380, v53;
	v55 =	vadd.s32 v9, v3;
	[tilespmem:$0x190] =	vst v2  }
0xca: {  	v4 =	vadd.s32 v4, v26;
	v3 =	vmul.u32 $0x380, v60;
	[tilespmem:$0x1B0] =	vst v55;
	v0 =	vadd.s32 v59, v61  }
0xcb: {  	v62 =	vadd.s32 v11, v27;
	v1 =	vmul.u32 $0x380, v54;
	v56 =	vadd.s32 v6, v4;
	[tilespmem:$0x1E0] =	vst v0  }
0xcc: {  	v58 =	vadd.s32 v5, v28;
	v63 =	vadd.s32 v3, v62;
	[tilespmem:$0x1A0] =	vst v56  }
0xcd: {  	v1 =	vadd.s32 v1, v58;
	[tilespmem:$0x1F0] =	vst v63  }
0xce: {  	[tilespmem:$0x1C0] =	vst v1  }
0xcf: {  	[tilespmem:s14], [sflag:$0x4] =	stream.indirect.gather [hbm4b:s2+s7], $0x1, s13, s7, $0xb8;
	[tilespmem:$0x400] =	vst v63  }
0xd0: {  	_ =	swait.ge [sflag:s12], $0x80  }
0xd1: {  	[sflag:s12] =	ssyncset.done $0x0  }
0xd2: {  	[sflag:s12] =	ssyncadd.s32 $0xFFFFFF80  }
0xd3: {  	_ =	swait.ge [sflag:s11], $0x80  }
0xd4: {  	[sflag:s11] =	ssyncset.done $0x0  }
0xd5: {  	[sflag:s11] =	ssyncadd.s32 $0xFFFFFF80  }
0xd6: {  	_ =	swait.ge [sflag:s16], $0x80  }
0xd7: {  	[sflag:s16] =	ssyncset.done $0x0  }
0xd8: {  	[sflag:s16] =	ssyncadd.s32 $0xFFFFFF80  }
0xd9: {  	_ =	swait.ge [sflag:s15], $0x80  }
0xda: {  	[sflag:s15] =	ssyncset.done $0x0  }
0xdb: {  	[sflag:s15] =	ssyncadd.s32 $0xFFFFFF80  }
0xdc: {  	[hbm4b:s9+s3] =	stream.linear.scatter [tilespmem:s6], [sflag:$0x1], $0x200, $0x38;
	[tilespmem:$0x400] =	vst v63  }
0xdd: {  	_ = 	snop  }
0xde: {  	[hbm4b:s10+s3] =	stream.linear.scatter [tilespmem:s6], [sflag:$0x2], $0x200, $0x38;
	[tilespmem:$0x400] =	vst v63  }
0xdf: {  	_ =	swait.ge [sflag:s12], $0x200  }
0xe0: {  	[sflag:s12] =	ssyncset.done $0x0  }
0xe1: {  	[sflag:s12] =	ssyncadd.s32 $0xFFFFFE00  }
0xe2: {  	_ =	swait.ge [sflag:s11], $0x200  }
0xe3: {  	[sflag:s11] =	ssyncset.done $0x0  }
0xe4: {  	[sflag:s11] =	ssyncadd.s32 $0xFFFFFE00  }
0xe5: {  	_ =	sfence.sel $0x180000  }
0xe6: {  	[bflag:$0x0] =	sbarrier.arrive $0xFFFF  }
0xe7: {  	p0 =	sne.s32 s0, $0x0;
	_ =	strace $0x90000047  }
0xe8: {  	s0 =	sadd.s32 @!p0 $0x100000, s1;
	[bflag:$0x2] =	sbarrier.arrive $0xFFFF  }
0xe9: {  	[sflag:s0] =	ssyncadd.tile.s32 @!p0 $0x1;
	_ =	shalt  }
.Lfunc_end2:
_tile_overlayer_lowered:
.L_overlay_start_2:
0xea: {  	(tag) =	ssettag $0x2  }
0xeb: {  	s0 =	rddreg [dreg:$0x0];
	s2 =	stileid.u32  }
0xec: {  	s1 =	rddreg [dreg:$0x1];
	p0 =	sne.s32 s2, $0x0  }
0xed: {  	s3 =	rddreg [dreg:$0x2];
	[bflag:$0x3] =	sbarrier.arrive $0xFFFF;
	s2 =	simm.s32 @!p0 $0x1C05  }
0xee: {  	[timem:s3], [sflag:s2] =	dma.local @!p0 [hbm:s0], s1  }
0xef: {  	s0 =	simm.s32 @!p0 $0x5  }
0xf0: {  	_ =	swait.ge @!p0 [sflag:s0], s1  }
0xf1: {  	s1 =	ssub.s32 @!p0 $0x0, s1;
	[sflag:s0] =	ssyncset.done @!p0 $0x0  }
0xf2: {  	[sflag:s0] =	ssyncadd.s32 @!p0 s1  }
0xf3: {  	[bflag:$0x3] =	sbarrier.arrive $0xFFFF  }
0xf4: {  	_ =	shalt  }

</sc_bundles>
